<compile_context>
chip_gen: v7x
topology: tpu7x:2x2x1
jax: 0.10.2.dev20260603
libtpu: 0.0.44.dev20260713+nightly
codegen_flags: <defaults>
</compile_context>

<pallas_src>
import functools

import jax
import jax.numpy as jnp
from jax import lax
from jax.experimental import pallas as pl
from jax.experimental.pallas import tpu as pltpu
from jax.experimental.pallas import tpu_sc as plsc

D = 2048
H = 512
E = 64
N = 32


def _gate_kernel(x_ref, gw_ref, eid_ref, p_ref):
    x = x_ref[...]
    gw = gw_ref[...]
    s = jax.lax.dot_general(x, gw, (((1,), (1,)), ((), ())),
                            preferred_element_type=jnp.float32)
    m = jnp.max(s, axis=1, keepdims=True)
    p_top = 1.0 / jnp.sum(jnp.exp(s - m), axis=1, keepdims=True)
    col = jax.lax.broadcasted_iota(jnp.int32, (N, E), 1)
    e_id = jnp.min(jnp.where(s == m, col, E), axis=1)
    eid_ref[0, :] = e_id
    p_ref[0, :] = p_top[:, 0]


def _route_sc_kernel(eid_hbm, p_hbm, se_hbm, st_hbm, sp_hbm,
                     eid_v, p_v, se_v, st_v, sp_v):
    wid = lax.axis_index("s") * 2 + lax.axis_index("c")

    @pl.when(wid == 0)
    def _():
        pltpu.sync_copy(eid_hbm, eid_v)
        pltpu.sync_copy(p_hbm, p_v)
        e0 = eid_v[pl.ds(0, 16)]
        e1 = eid_v[pl.ds(16, 16)]
        io = lax.iota(jnp.int32, 16)
        key0 = e0 * N + io
        key1 = e1 * N + io + 16
        r0 = jnp.zeros((16,), jnp.int32)
        r1 = jnp.zeros((16,), jnp.int32)
        for lane in range(16):
            kb0 = jnp.full((16,), key0[lane], jnp.int32)
            c0 = (plsc.all_reduce_population_count(key0 < kb0)
                  + plsc.all_reduce_population_count(key1 < kb0))
            r0 = jnp.where(io == lane, c0, r0)
            kb1 = jnp.full((16,), key1[lane], jnp.int32)
            c1 = (plsc.all_reduce_population_count(key0 < kb1)
                  + plsc.all_reduce_population_count(key1 < kb1))
            r1 = jnp.where(io == lane, c1, r1)
        p0 = p_v[pl.ds(0, 16)]
        p1 = p_v[pl.ds(16, 16)]
        plsc.store_scatter(se_v, [r0], e0)
        plsc.store_scatter(se_v, [r1], e1)
        plsc.store_scatter(st_v, [r0], io)
        plsc.store_scatter(st_v, [r1], io + 16)
        plsc.store_scatter(sp_v, [r0], p0)
        plsc.store_scatter(sp_v, [r1], p1)
        pltpu.sync_copy(se_v, se_hbm)
        pltpu.sync_copy(st_v, st_hbm)
        pltpu.sync_copy(sp_v, sp_hbm)


_route_sc = functools.partial(
    pl.kernel,
    out_type=(
        jax.ShapeDtypeStruct((N,), jnp.int32),
        jax.ShapeDtypeStruct((N,), jnp.int32),
        jax.ShapeDtypeStruct((N,), jnp.float32),
    ),
    mesh=plsc.VectorSubcoreMesh(core_axis_name="c", subcore_axis_name="s",
                                num_cores=1, num_subcores=1),
    compiler_params=pltpu.CompilerParams(needs_layout_passes=False),
    scratch_types=[
        pltpu.VMEM((N,), jnp.int32),
        pltpu.VMEM((N,), jnp.float32),
        pltpu.VMEM((N,), jnp.int32),
        pltpu.VMEM((N,), jnp.int32),
        pltpu.VMEM((N,), jnp.float32),
    ],
)(_route_sc_kernel)


def _ffn_kernel(se_ref, st_ref, sp_ref, x_ref, w1_ref, w3_ref, w2_ref, o_ref):
    del se_ref, st_ref
    i = pl.program_id(0)
    x = x_ref[0]
    w1 = w1_ref[0]
    w3 = w3_ref[0]
    w2 = w2_ref[0]
    h1 = jax.lax.dot_general(x, w1, (((1,), (1,)), ((), ())),
                             preferred_element_type=jnp.float32)
    h3 = jax.lax.dot_general(x, w3, (((1,), (1,)), ((), ())),
                             preferred_element_type=jnp.float32)
    h = jax.nn.silu(h1) * h3
    y = jax.lax.dot_general(h, w2, (((1,), (1,)), ((), ())),
                            preferred_element_type=jnp.float32)
    o_ref[0] = y * sp_ref[i]


def kernel(x, gate_w, w1, w2, w3):
    orig_shape = x.shape
    xf = x.reshape(-1, orig_shape[-1])

    eid, p = pl.pallas_call(
        _gate_kernel,
        out_shape=(
            jax.ShapeDtypeStruct((1, N), jnp.int32),
            jax.ShapeDtypeStruct((1, N), jnp.float32),
        ),
    )(xf, gate_w)

    se1, st1, sp = _route_sc(eid.reshape(N), p.reshape(N))

    x3 = xf.reshape(N, 1, D)

    grid_spec = pltpu.PrefetchScalarGridSpec(
        num_scalar_prefetch=3,
        grid=(N,),
        in_specs=[
            pl.BlockSpec((1, 1, D), lambda i, se_r, st_r, sp_r: (st_r[i], 0, 0)),
            pl.BlockSpec((1, H, D), lambda i, se_r, st_r, sp_r: (se_r[i], 0, 0)),
            pl.BlockSpec((1, H, D), lambda i, se_r, st_r, sp_r: (se_r[i], 0, 0)),
            pl.BlockSpec((1, D, H), lambda i, se_r, st_r, sp_r: (se_r[i], 0, 0)),
        ],
        out_specs=pl.BlockSpec((1, 1, D),
                               lambda i, se_r, st_r, sp_r: (st_r[i], 0, 0)),
    )

    y = pl.pallas_call(
        _ffn_kernel,
        grid_spec=grid_spec,
        out_shape=jax.ShapeDtypeStruct((N, 1, D), jnp.float32),
        compiler_params=pltpu.CompilerParams(
            vmem_limit_bytes=100 * 1024 * 1024,
        ),
    )(se1, st1, sp, x3, w1, w3, w2)

    return y.reshape(orig_shape)

# --- scband reference (transcript-rebuilt; emitter-appended) ---
"""Pipeline reference for scband-mo-e-24343874633735 (READ-ONLY COPY).

The authoritative reference and input builder live on the scoring server;
editing this copy changes nothing except your own understanding.
"""

import jax, jax.numpy as jnp
import numpy as np

D = 2048   # model dim
H = 512    # moe_inter_dim
E = 64     # n_routed_experts
TOPK = 1
TEMP = 1.0
B, Q = 32, 1


def setup_inputs(seed: int = 0) -> dict:
    key = jax.random.key(seed)
    ks = jax.random.split(key, 5)
    x = jax.random.normal(ks[0], (B, Q, D), dtype=jnp.float32)
    # gate weight, xavier-uniform as in torch Gate
    lim = (6.0 / (E + D)) ** 0.5
    gate_w = jax.random.uniform(ks[1], (E, D), dtype=jnp.float32, minval=-lim, maxval=lim)
    # stacked expert weights, nn.Linear layout: w1,w3: [E, H, D]; w2: [E, D, H]
    s1 = (1.0 / D) ** 0.5
    s2 = (1.0 / H) ** 0.5
    w1 = jax.random.uniform(ks[2], (E, H, D), dtype=jnp.float32, minval=-s1, maxval=s1)
    w2 = jax.random.uniform(ks[3], (E, D, H), dtype=jnp.float32, minval=-s2, maxval=s2)
    w3 = jax.random.uniform(ks[4], (E, H, D), dtype=jnp.float32, minval=-s1, maxval=s1)
    return {"x": x, "gate_w": gate_w, "w1": w1, "w2": w2, "w3": w3}


def reference(x, gate_w, w1, w2, w3):
    orig_shape = x.shape
    xf = x.reshape(-1, orig_shape[-1])            # [N, D]
    # Gate
    scores = (xf @ gate_w.T) / TEMP               # [N, E]
    probs = jax.nn.softmax(scores, axis=-1)
    topk_vals, topk_idx = jax.lax.top_k(probs, TOPK)  # [N, TOPK]
    # expert_mask: zeros(N, E) with topk probs scattered at topk_idx
    # (top_k indices are distinct per row, so sum-of-one-hots == scatter-set)
    expert_mask = jnp.sum(jax.nn.one_hot(topk_idx, E, dtype=xf.dtype) * topk_vals[..., None], axis=1)  # [N, E]
    # Dense equivalent of the per-expert masked loop:
    # y[n] = sum_e expert_mask[n, e] * FFN_e(x[n])  (mask is zero for inactive experts)
    h1 = jnp.einsum('nd,ehd->neh', xf, w1)
    h3 = jnp.einsum('nd,ehd->neh', xf, w3)
    h = jax.nn.silu(h1) * h3                      # [N, E, H]
    expert_out = jnp.einsum('neh,edh->ned', h, w2)  # [N, E, D]
    y = jnp.einsum('ne,ned->nd', expert_mask, expert_out)
    # n_shared_experts == 0 -> no shared expert branch
    return y.reshape(orig_shape)

if __name__ == "__main__":
    import jax
    _d = setup_inputs()
    print(jax.jit(kernel)(*tuple(_d.values())))

</pallas_src>

<mosaic_0001>
#map = affine_map<(d0, d1) -> (0)>
module attributes {stable_mosaic.version = 14 : i64} {
  func.func @_route_sc_kernel(%arg0: i32, %arg1: i32, %arg2: memref<32xi32, #tpu.memory_space<hbm>>, %arg3: memref<32xf32, #tpu.memory_space<hbm>>, %arg4: memref<32xi32, #tpu.memory_space<hbm>>, %arg5: memref<32xi32, #tpu.memory_space<hbm>>, %arg6: memref<32xf32, #tpu.memory_space<hbm>>, %arg7: memref<32xi32, #tpu.memory_space<vmem>>, %arg8: memref<32xf32, #tpu.memory_space<vmem>>, %arg9: memref<32xi32, #tpu.memory_space<vmem>>, %arg10: memref<32xi32, #tpu.memory_space<vmem>>, %arg11: memref<32xf32, #tpu.memory_space<vmem>>) attributes {dimension_semantics = [#tpu.dimension_semantics<core_parallel>, #tpu.dimension_semantics<subcore_parallel>], iteration_bounds = array<i64: 1, 1>, scalar_prefetch = 0 : i64, scratch_operands = 5 : i64, tpu.core_type = #tpu.core_type<sc_vector_subcore>, window_params = [{transform_indices = #map}, {transform_indices = #map}, {transform_indices = #map}, {transform_indices = #map}, {transform_indices = #map}]} {
    %mul3A = arith.constant 2 : i32
    %mul3A_0 = arith.muli %arg1, %mul3A : i32
    %add3A = arith.addi %mul3A_0, %arg0 : i32
    %eq3A = arith.constant 0 : i32
    %eq3A_1 = arith.cmpi eq, %add3A, %eq3A : i32
    %convert_element_type3A = arith.extui %eq3A_1 : i1 to i32
    %cond3A = arith.constant 0 : i32
    %cond3A_2 = arith.cmpi ne, %convert_element_type3A, %cond3A : i32
    scf.if %cond3A_2 {
      "tpu.region"() ({
        %run_scoped3A = tpu.sem_alloc : memref<!tpu.dma_semaphore, #tpu.memory_space<semaphore_mem>>
        tpu.enqueue_dma source(%arg2 : memref<32xi32, #tpu.memory_space<hbm>>) target(%arg7 : memref<32xi32, #tpu.memory_space<vmem>>) target_semaphore(%run_scoped3A : memref<!tpu.dma_semaphore, #tpu.memory_space<semaphore_mem>>)
        tpu.wait_dma2 semaphore(%run_scoped3A : memref<!tpu.dma_semaphore, #tpu.memory_space<semaphore_mem>>) src(%arg2 : memref<32xi32, #tpu.memory_space<hbm>>) dst(%arg7 : memref<32xi32, #tpu.memory_space<vmem>>)
        tpu.yield
      }) : () -> ()
      "tpu.region"() ({
        %run_scoped3A = tpu.sem_alloc : memref<!tpu.dma_semaphore, #tpu.memory_space<semaphore_mem>>
        tpu.enqueue_dma source(%arg3 : memref<32xf32, #tpu.memory_space<hbm>>) target(%arg8 : memref<32xf32, #tpu.memory_space<vmem>>) target_semaphore(%run_scoped3A : memref<!tpu.dma_semaphore, #tpu.memory_space<semaphore_mem>>)
        tpu.wait_dma2 semaphore(%run_scoped3A : memref<!tpu.dma_semaphore, #tpu.memory_space<semaphore_mem>>) src(%arg3 : memref<32xf32, #tpu.memory_space<hbm>>) dst(%arg8 : memref<32xf32, #tpu.memory_space<vmem>>)
        tpu.yield
      }) : () -> ()
      %get3A = arith.constant 0 : index
      %get3A_3 = tpu.vector_load %arg7[%get3A] {strides = array<i32>} : memref<32xi32, #tpu.memory_space<vmem>>, vector<16xi32>,
      %get3A_4 = arith.constant 16 : index
      %get3A_5 = tpu.vector_load %arg7[%get3A_4] {strides = array<i32>} : memref<32xi32, #tpu.memory_space<vmem>>, vector<16xi32>,
      %iota3A = tpu.iota {dimensions = array<i32: 0>} : vector<16xi32>
      %mul3A_6 = arith.constant 32 : i32
      %mul3A_7 = vector.broadcast %mul3A_6 : i32 to vector<16xi32>
      %mul3A_8 = arith.muli %get3A_3, %mul3A_7 : vector<16xi32>
      %add3A_9 = arith.addi %mul3A_8, %iota3A : vector<16xi32>
      %mul3A_10 = arith.constant 32 : i32
      %mul3A_11 = vector.broadcast %mul3A_10 : i32 to vector<16xi32>
      %mul3A_12 = arith.muli %get3A_5, %mul3A_11 : vector<16xi32>
      %add3A_13 = arith.addi %mul3A_12, %iota3A : vector<16xi32>
      %add3A_14 = arith.constant 16 : i32
      %add3A_15 = vector.broadcast %add3A_14 : i32 to vector<16xi32>
      %add3A_16 = arith.addi %add3A_13, %add3A_15 : vector<16xi32>
      %broadcast_in_dim3A = arith.constant 0 : i32
      %broadcast_in_dim3A_17 = vector.broadcast %broadcast_in_dim3A : i32 to vector<16xi32>
      %broadcast_in_dim3A_18 = arith.constant 0 : i32
      %broadcast_in_dim3A_19 = vector.broadcast %broadcast_in_dim3A_18 : i32 to vector<16xi32>
      %slice3A = vector.extract_strided_slice %add3A_9 {offsets = [0], sizes = [1], strides = [1]} : vector<16xi32> to vector<1xi32>
      %squeeze3A = vector.extract %slice3A[0] : i32 from vector<1xi32>
      %broadcast_in_dim3A_20 = vector.broadcast %squeeze3A : i32 to vector<16xi32>
      %lt3A = arith.cmpi slt, %add3A_9, %broadcast_in_dim3A_20 : vector<16xi32>
      %all_reduce_population_count3A = tpu.all_reduce %lt3A {dim = 0 : i64, kind = #tpu.reduction_kind<sum>} : vector<16xi1> -> vector<16xi32>
      %lt3A_21 = arith.cmpi slt, %add3A_16, %broadcast_in_dim3A_20 : vector<16xi32>
      %all_reduce_population_count3A_22 = tpu.all_reduce %lt3A_21 {dim = 0 : i64, kind = #tpu.reduction_kind<sum>} : vector<16xi1> -> vector<16xi32>
      %add3A_23 = arith.addi %all_reduce_population_count3A, %all_reduce_population_count3A_22 : vector<16xi32>
      %eq3A_24 = arith.constant 0 : i32
      %eq3A_25 = vector.broadcast %eq3A_24 : i32 to vector<16xi32>
      %eq3A_26 = arith.cmpi eq, %iota3A, %eq3A_25 : vector<16xi32>
      %select_n3A = arith.select %eq3A_26, %add3A_23, %broadcast_in_dim3A_17 : vector<16xi1>, vector<16xi32>
      %slice3A_27 = vector.extract_strided_slice %add3A_16 {offsets = [0], sizes = [1], strides = [1]} : vector<16xi32> to vector<1xi32>
      %squeeze3A_28 = vector.extract %slice3A_27[0] : i32 from vector<1xi32>
      %broadcast_in_dim3A_29 = vector.broadcast %squeeze3A_28 : i32 to vector<16xi32>
      %lt3A_30 = arith.cmpi slt, %add3A_9, %broadcast_in_dim3A_29 : vector<16xi32>
      %all_reduce_population_count3A_31 = tpu.all_reduce %lt3A_30 {dim = 0 : i64, kind = #tpu.reduction_kind<sum>} : vector<16xi1> -> vector<16xi32>
      %lt3A_32 = arith.cmpi slt, %add3A_16, %broadcast_in_dim3A_29 : vector<16xi32>
      %all_reduce_population_count3A_33 = tpu.all_reduce %lt3A_32 {dim = 0 : i64, kind = #tpu.reduction_kind<sum>} : vector<16xi1> -> vector<16xi32>
      %add3A_34 = arith.addi %all_reduce_population_count3A_31, %all_reduce_population_count3A_33 : vector<16xi32>
      %eq3A_35 = arith.constant 0 : i32
      %eq3A_36 = vector.broadcast %eq3A_35 : i32 to vector<16xi32>
      %eq3A_37 = arith.cmpi eq, %iota3A, %eq3A_36 : vector<16xi32>
      %select_n3A_38 = arith.select %eq3A_37, %add3A_34, %broadcast_in_dim3A_19 : vector<16xi1>, vector<16xi32>
      %slice3A_39 = vector.extract_strided_slice %add3A_9 {offsets = [1], sizes = [1], strides = [1]} : vector<16xi32> to vector<1xi32>
      %squeeze3A_40 = vector.extract %slice3A_39[0] : i32 from vector<1xi32>
      %broadcast_in_dim3A_41 = vector.broadcast %squeeze3A_40 : i32 to vector<16xi32>
      %lt3A_42 = arith.cmpi slt, %add3A_9, %broadcast_in_dim3A_41 : vector<16xi32>
      %all_reduce_population_count3A_43 = tpu.all_reduce %lt3A_42 {dim = 0 : i64, kind = #tpu.reduction_kind<sum>} : vector<16xi1> -> vector<16xi32>
      %lt3A_44 = arith.cmpi slt, %add3A_16, %broadcast_in_dim3A_41 : vector<16xi32>
      %all_reduce_population_count3A_45 = tpu.all_reduce %lt3A_44 {dim = 0 : i64, kind = #tpu.reduction_kind<sum>} : vector<16xi1> -> vector<16xi32>
      %add3A_46 = arith.addi %all_reduce_population_count3A_43, %all_reduce_population_count3A_45 : vector<16xi32>
      %eq3A_47 = arith.constant 1 : i32
      %eq3A_48 = vector.broadcast %eq3A_47 : i32 to vector<16xi32>
      %eq3A_49 = arith.cmpi eq, %iota3A, %eq3A_48 : vector<16xi32>
      %select_n3A_50 = arith.select %eq3A_49, %add3A_46, %select_n3A : vector<16xi1>, vector<16xi32>
      %slice3A_51 = vector.extract_strided_slice %add3A_16 {offsets = [1], sizes = [1], strides = [1]} : vector<16xi32> to vector<1xi32>
      %squeeze3A_52 = vector.extract %slice3A_51[0] : i32 from vector<1xi32>
      %broadcast_in_dim3A_53 = vector.broadcast %squeeze3A_52 : i32 to vector<16xi32>
      %lt3A_54 = arith.cmpi slt, %add3A_9, %broadcast_in_dim3A_53 : vector<16xi32>
      %all_reduce_population_count3A_55 = tpu.all_reduce %lt3A_54 {dim = 0 : i64, kind = #tpu.reduction_kind<sum>} : vector<16xi1> -> vector<16xi32>
      %lt3A_56 = arith.cmpi slt, %add3A_16, %broadcast_in_dim3A_53 : vector<16xi32>
      %all_reduce_population_count3A_57 = tpu.all_reduce %lt3A_56 {dim = 0 : i64, kind = #tpu.reduction_kind<sum>} : vector<16xi1> -> vector<16xi32>
      %add3A_58 = arith.addi %all_reduce_population_count3A_55, %all_reduce_population_count3A_57 : vector<16xi32>
      %eq3A_59 = arith.constant 1 : i32
      %eq3A_60 = vector.broadcast %eq3A_59 : i32 to vector<16xi32>
      %eq3A_61 = arith.cmpi eq, %iota3A, %eq3A_60 : vector<16xi32>
      %select_n3A_62 = arith.select %eq3A_61, %add3A_58, %select_n3A_38 : vector<16xi1>, vector<16xi32>
      %slice3A_63 = vector.extract_strided_slice %add3A_9 {offsets = [2], sizes = [1], strides = [1]} : vector<16xi32> to vector<1xi32>
      %squeeze3A_64 = vector.extract %slice3A_63[0] : i32 from vector<1xi32>
      %broadcast_in_dim3A_65 = vector.broadcast %squeeze3A_64 : i32 to vector<16xi32>
      %lt3A_66 = arith.cmpi slt, %add3A_9, %broadcast_in_dim3A_65 : vector<16xi32>
      %all_reduce_population_count3A_67 = tpu.all_reduce %lt3A_66 {dim = 0 : i64, kind = #tpu.reduction_kind<sum>} : vector<16xi1> -> vector<16xi32>
      %lt3A_68 = arith.cmpi slt, %add3A_16, %broadcast_in_dim3A_65 : vector<16xi32>
      %all_reduce_population_count3A_69 = tpu.all_reduce %lt3A_68 {dim = 0 : i64, kind = #tpu.reduction_kind<sum>} : vector<16xi1> -> vector<16xi32>
      %add3A_70 = arith.addi %all_reduce_population_count3A_67, %all_reduce_population_count3A_69 : vector<16xi32>
      %eq3A_71 = arith.constant 2 : i32
      %eq3A_72 = vector.broadcast %eq3A_71 : i32 to vector<16xi32>
      %eq3A_73 = arith.cmpi eq, %iota3A, %eq3A_72 : vector<16xi32>
      %select_n3A_74 = arith.select %eq3A_73, %add3A_70, %select_n3A_50 : vector<16xi1>, vector<16xi32>
      %slice3A_75 = vector.extract_strided_slice %add3A_16 {offsets = [2], sizes = [1], strides = [1]} : vector<16xi32> to vector<1xi32>
      %squeeze3A_76 = vector.extract %slice3A_75[0] : i32 from vector<1xi32>
      %broadcast_in_dim3A_77 = vector.broadcast %squeeze3A_76 : i32 to vector<16xi32>
      %lt3A_78 = arith.cmpi slt, %add3A_9, %broadcast_in_dim3A_77 : vector<16xi32>
      %all_reduce_population_count3A_79 = tpu.all_reduce %lt3A_78 {dim = 0 : i64, kind = #tpu.reduction_kind<sum>} : vector<16xi1> -> vector<16xi32>
      %lt3A_80 = arith.cmpi slt, %add3A_16, %broadcast_in_dim3A_77 : vector<16xi32>
      %all_reduce_population_count3A_81 = tpu.all_reduce %lt3A_80 {dim = 0 : i64, kind = #tpu.reduction_kind<sum>} : vector<16xi1> -> vector<16xi32>
      %add3A_82 = arith.addi %all_reduce_population_count3A_79, %all_reduce_population_count3A_81 : vector<16xi32>
      %eq3A_83 = arith.constant 2 : i32
      %eq3A_84 = vector.broadcast %eq3A_83 : i32 to vector<16xi32>
      %eq3A_85 = arith.cmpi eq, %iota3A, %eq3A_84 : vector<16xi32>
      %select_n3A_86 = arith.select %eq3A_85, %add3A_82, %select_n3A_62 : vector<16xi1>, vector<16xi32>
      %slice3A_87 = vector.extract_strided_slice %add3A_9 {offsets = [3], sizes = [1], strides = [1]} : vector<16xi32> to vector<1xi32>
      %squeeze3A_88 = vector.extract %slice3A_87[0] : i32 from vector<1xi32>
      %broadcast_in_dim3A_89 = vector.broadcast %squeeze3A_88 : i32 to vector<16xi32>
      %lt3A_90 = arith.cmpi slt, %add3A_9, %broadcast_in_dim3A_89 : vector<16xi32>
      %all_reduce_population_count3A_91 = tpu.all_reduce %lt3A_90 {dim = 0 : i64, kind = #tpu.reduction_kind<sum>} : vector<16xi1> -> vector<16xi32>
      %lt3A_92 = arith.cmpi slt, %add3A_16, %broadcast_in_dim3A_89 : vector<16xi32>
      %all_reduce_population_count3A_93 = tpu.all_reduce %lt3A_92 {dim = 0 : i64, kind = #tpu.reduction_kind<sum>} : vector<16xi1> -> vector<16xi32>
      %add3A_94 = arith.addi %all_reduce_population_count3A_91, %all_reduce_population_count3A_93 : vector<16xi32>
      %eq3A_95 = arith.constant 3 : i32
      %eq3A_96 = vector.broadcast %eq3A_95 : i32 to vector<16xi32>
      %eq3A_97 = arith.cmpi eq, %iota3A, %eq3A_96 : vector<16xi32>
      %select_n3A_98 = arith.select %eq3A_97, %add3A_94, %select_n3A_74 : vector<16xi1>, vector<16xi32>
      %slice3A_99 = vector.extract_strided_slice %add3A_16 {offsets = [3], sizes = [1], strides = [1]} : vector<16xi32> to vector<1xi32>
      %squeeze3A_100 = vector.extract %slice3A_99[0] : i32 from vector<1xi32>
      %broadcast_in_dim3A_101 = vector.broadcast %squeeze3A_100 : i32 to vector<16xi32>
      %lt3A_102 = arith.cmpi slt, %add3A_9, %broadcast_in_dim3A_101 : vector<16xi32>
      %all_reduce_population_count3A_103 = tpu.all_reduce %lt3A_102 {dim = 0 : i64, kind = #tpu.reduction_kind<sum>} : vector<16xi1> -> vector<16xi32>
      %lt3A_104 = arith.cmpi slt, %add3A_16, %broadcast_in_dim3A_101 : vector<16xi32>
      %all_reduce_population_count3A_105 = tpu.all_reduce %lt3A_104 {dim = 0 : i64, kind = #tpu.reduction_kind<sum>} : vector<16xi1> -> vector<16xi32>
      %add3A_106 = arith.addi %all_reduce_population_count3A_103, %all_reduce_population_count3A_105 : vector<16xi32>
      %eq3A_107 = arith.constant 3 : i32
      %eq3A_108 = vector.broadcast %eq3A_107 : i32 to vector<16xi32>
      %eq3A_109 = arith.cmpi eq, %iota3A, %eq3A_108 : vector<16xi32>
      %select_n3A_110 = arith.select %eq3A_109, %add3A_106, %select_n3A_86 : vector<16xi1>, vector<16xi32>
      %slice3A_111 = vector.extract_strided_slice %add3A_9 {offsets = [4], sizes = [1], strides = [1]} : vector<16xi32> to vector<1xi32>
      %squeeze3A_112 = vector.extract %slice3A_111[0] : i32 from vector<1xi32>
      %broadcast_in_dim3A_113 = vector.broadcast %squeeze3A_112 : i32 to vector<16xi32>
      %lt3A_114 = arith.cmpi slt, %add3A_9, %broadcast_in_dim3A_113 : vector<16xi32>
      %all_reduce_population_count3A_115 = tpu.all_reduce %lt3A_114 {dim = 0 : i64, kind = #tpu.reduction_kind<sum>} : vector<16xi1> -> vector<16xi32>
      %lt3A_116 = arith.cmpi slt, %add3A_16, %broadcast_in_dim3A_113 : vector<16xi32>
      %all_reduce_population_count3A_117 = tpu.all_reduce %lt3A_116 {dim = 0 : i64, kind = #tpu.reduction_kind<sum>} : vector<16xi1> -> vector<16xi32>
      %add3A_118 = arith.addi %all_reduce_population_count3A_115, %all_reduce_population_count3A_117 : vector<16xi32>
      %eq3A_119 = arith.constant 4 : i32
      %eq3A_120 = vector.broadcast %eq3A_119 : i32 to vector<16xi32>
      %eq3A_121 = arith.cmpi eq, %iota3A, %eq3A_120 : vector<16xi32>
      %select_n3A_122 = arith.select %eq3A_121, %add3A_118, %select_n3A_98 : vector<16xi1>, vector<16xi32>
      %slice3A_123 = vector.extract_strided_slice %add3A_16 {offsets = [4], sizes = [1], strides = [1]} : vector<16xi32> to vector<1xi32>
      %squeeze3A_124 = vector.extract %slice3A_123[0] : i32 from vector<1xi32>
      %broadcast_in_dim3A_125 = vector.broadcast %squeeze3A_124 : i32 to vector<16xi32>
      %lt3A_126 = arith.cmpi slt, %add3A_9, %broadcast_in_dim3A_125 : vector<16xi32>
      %all_reduce_population_count3A_127 = tpu.all_reduce %lt3A_126 {dim = 0 : i64, kind = #tpu.reduction_kind<sum>} : vector<16xi1> -> vector<16xi32>
      %lt3A_128 = arith.cmpi slt, %add3A_16, %broadcast_in_dim3A_125 : vector<16xi32>
      %all_reduce_population_count3A_129 = tpu.all_reduce %lt3A_128 {dim = 0 : i64, kind = #tpu.reduction_kind<sum>} : vector<16xi1> -> vector<16xi32>
      %add3A_130 = arith.addi %all_reduce_population_count3A_127, %all_reduce_population_count3A_129 : vector<16xi32>
      %eq3A_131 = arith.constant 4 : i32
      %eq3A_132 = vector.broadcast %eq3A_131 : i32 to vector<16xi32>
      %eq3A_133 = arith.cmpi eq, %iota3A, %eq3A_132 : vector<16xi32>
      %select_n3A_134 = arith.select %eq3A_133, %add3A_130, %select_n3A_110 : vector<16xi1>, vector<16xi32>
      %slice3A_135 = vector.extract_strided_slice %add3A_9 {offsets = [5], sizes = [1], strides = [1]} : vector<16xi32> to vector<1xi32>
      %squeeze3A_136 = vector.extract %slice3A_135[0] : i32 from vector<1xi32>
      %broadcast_in_dim3A_137 = vector.broadcast %squeeze3A_136 : i32 to vector<16xi32>
      %lt3A_138 = arith.cmpi slt, %add3A_9, %broadcast_in_dim3A_137 : vector<16xi32>
      %all_reduce_population_count3A_139 = tpu.all_reduce %lt3A_138 {dim = 0 : i64, kind = #tpu.reduction_kind<sum>} : vector<16xi1> -> vector<16xi32>
      %lt3A_140 = arith.cmpi slt, %add3A_16, %broadcast_in_dim3A_137 : vector<16xi32>
      %all_reduce_population_count3A_141 = tpu.all_reduce %lt3A_140 {dim = 0 : i64, kind = #tpu.reduction_kind<sum>} : vector<16xi1> -> vector<16xi32>
      %add3A_142 = arith.addi %all_reduce_population_count3A_139, %all_reduce_population_count3A_141 : vector<16xi32>
      %eq3A_143 = arith.constant 5 : i32
      %eq3A_144 = vector.broadcast %eq3A_143 : i32 to vector<16xi32>
      %eq3A_145 = arith.cmpi eq, %iota3A, %eq3A_144 : vector<16xi32>
      %select_n3A_146 = arith.select %eq3A_145, %add3A_142, %select_n3A_122 : vector<16xi1>, vector<16xi32>
      %slice3A_147 = vector.extract_strided_slice %add3A_16 {offsets = [5], sizes = [1], strides = [1]} : vector<16xi32> to vector<1xi32>
      %squeeze3A_148 = vector.extract %slice3A_147[0] : i32 from vector<1xi32>
      %broadcast_in_dim3A_149 = vector.broadcast %squeeze3A_148 : i32 to vector<16xi32>
      %lt3A_150 = arith.cmpi slt, %add3A_9, %broadcast_in_dim3A_149 : vector<16xi32>
      %all_reduce_population_count3A_151 = tpu.all_reduce %lt3A_150 {dim = 0 : i64, kind = #tpu.reduction_kind<sum>} : vector<16xi1> -> vector<16xi32>
      %lt3A_152 = arith.cmpi slt, %add3A_16, %broadcast_in_dim3A_149 : vector<16xi32>
      %all_reduce_population_count3A_153 = tpu.all_reduce %lt3A_152 {dim = 0 : i64, kind = #tpu.reduction_kind<sum>} : vector<16xi1> -> vector<16xi32>
      %add3A_154 = arith.addi %all_reduce_population_count3A_151, %all_reduce_population_count3A_153 : vector<16xi32>
      %eq3A_155 = arith.constant 5 : i32
      %eq3A_156 = vector.broadcast %eq3A_155 : i32 to vector<16xi32>
      %eq3A_157 = arith.cmpi eq, %iota3A, %eq3A_156 : vector<16xi32>
      %select_n3A_158 = arith.select %eq3A_157, %add3A_154, %select_n3A_134 : vector<16xi1>, vector<16xi32>
      %slice3A_159 = vector.extract_strided_slice %add3A_9 {offsets = [6], sizes = [1], strides = [1]} : vector<16xi32> to vector<1xi32>
      %squeeze3A_160 = vector.extract %slice3A_159[0] : i32 from vector<1xi32>
      %broadcast_in_dim3A_161 = vector.broadcast %squeeze3A_160 : i32 to vector<16xi32>
      %lt3A_162 = arith.cmpi slt, %add3A_9, %broadcast_in_dim3A_161 : vector<16xi32>
      %all_reduce_population_count3A_163 = tpu.all_reduce %lt3A_162 {dim = 0 : i64, kind = #tpu.reduction_kind<sum>} : vector<16xi1> -> vector<16xi32>
      %lt3A_164 = arith.cmpi slt, %add3A_16, %broadcast_in_dim3A_161 : vector<16xi32>
      %all_reduce_population_count3A_165 = tpu.all_reduce %lt3A_164 {dim = 0 : i64, kind = #tpu.reduction_kind<sum>} : vector<16xi1> -> vector<16xi32>
      %add3A_166 = arith.addi %all_reduce_population_count3A_163, %all_reduce_population_count3A_165 : vector<16xi32>
      %eq3A_167 = arith.constant 6 : i32
      %eq3A_168 = vector.broadcast %eq3A_167 : i32 to vector<16xi32>
      %eq3A_169 = arith.cmpi eq, %iota3A, %eq3A_168 : vector<16xi32>
      %select_n3A_170 = arith.select %eq3A_169, %add3A_166, %select_n3A_146 : vector<16xi1>, vector<16xi32>
      %slice3A_171 = vector.extract_strided_slice %add3A_16 {offsets = [6], sizes = [1], strides = [1]} : vector<16xi32> to vector<1xi32>
      %squeeze3A_172 = vector.extract %slice3A_171[0] : i32 from vector<1xi32>
      %broadcast_in_dim3A_173 = vector.broadcast %squeeze3A_172 : i32 to vector<16xi32>
      %lt3A_174 = arith.cmpi slt, %add3A_9, %broadcast_in_dim3A_173 : vector<16xi32>
      %all_reduce_population_count3A_175 = tpu.all_reduce %lt3A_174 {dim = 0 : i64, kind = #tpu.reduction_kind<sum>} : vector<16xi1> -> vector<16xi32>
      %lt3A_176 = arith.cmpi slt, %add3A_16, %broadcast_in_dim3A_173 : vector<16xi32>
      %all_reduce_population_count3A_177 = tpu.all_reduce %lt3A_176 {dim = 0 : i64, kind = #tpu.reduction_kind<sum>} : vector<16xi1> -> vector<16xi32>
      %add3A_178 = arith.addi %all_reduce_population_count3A_175, %all_reduce_population_count3A_177 : vector<16xi32>
      %eq3A_179 = arith.constant 6 : i32
      %eq3A_180 = vector.broadcast %eq3A_179 : i32 to vector<16xi32>
      %eq3A_181 = arith.cmpi eq, %iota3A, %eq3A_180 : vector<16xi32>
      %select_n3A_182 = arith.select %eq3A_181, %add3A_178, %select_n3A_158 : vector<16xi1>, vector<16xi32>
      %slice3A_183 = vector.extract_strided_slice %add3A_9 {offsets = [7], sizes = [1], strides = [1]} : vector<16xi32> to vector<1xi32>
      %squeeze3A_184 = vector.extract %slice3A_183[0] : i32 from vector<1xi32>
      %broadcast_in_dim3A_185 = vector.broadcast %squeeze3A_184 : i32 to vector<16xi32>
      %lt3A_186 = arith.cmpi slt, %add3A_9, %broadcast_in_dim3A_185 : vector<16xi32>
      %all_reduce_population_count3A_187 = tpu.all_reduce %lt3A_186 {dim = 0 : i64, kind = #tpu.reduction_kind<sum>} : vector<16xi1> -> vector<16xi32>
      %lt3A_188 = arith.cmpi slt, %add3A_16, %broadcast_in_dim3A_185 : vector<16xi32>
      %all_reduce_population_count3A_189 = tpu.all_reduce %lt3A_188 {dim = 0 : i64, kind = #tpu.reduction_kind<sum>} : vector<16xi1> -> vector<16xi32>
      %add3A_190 = arith.addi %all_reduce_population_count3A_187, %all_reduce_population_count3A_189 : vector<16xi32>
      %eq3A_191 = arith.constant 7 : i32
      %eq3A_192 = vector.broadcast %eq3A_191 : i32 to vector<16xi32>
      %eq3A_193 = arith.cmpi eq, %iota3A, %eq3A_192 : vector<16xi32>
      %select_n3A_194 = arith.select %eq3A_193, %add3A_190, %select_n3A_170 : vector<16xi1>, vector<16xi32>
      %slice3A_195 = vector.extract_strided_slice %add3A_16 {offsets = [7], sizes = [1], strides = [1]} : vector<16xi32> to vector<1xi32>
      %squeeze3A_196 = vector.extract %slice3A_195[0] : i32 from vector<1xi32>
      %broadcast_in_dim3A_197 = vector.broadcast %squeeze3A_196 : i32 to vector<16xi32>
      %lt3A_198 = arith.cmpi slt, %add3A_9, %broadcast_in_dim3A_197 : vector<16xi32>
      %all_reduce_population_count3A_199 = tpu.all_reduce %lt3A_198 {dim = 0 : i64, kind = #tpu.reduction_kind<sum>} : vector<16xi1> -> vector<16xi32>
      %lt3A_200 = arith.cmpi slt, %add3A_16, %broadcast_in_dim3A_197 : vector<16xi32>
      %all_reduce_population_count3A_201 = tpu.all_reduce %lt3A_200 {dim = 0 : i64, kind = #tpu.reduction_kind<sum>} : vector<16xi1> -> vector<16xi32>
      %add3A_202 = arith.addi %all_reduce_population_count3A_199, %all_reduce_population_count3A_201 : vector<16xi32>
      %eq3A_203 = arith.constant 7 : i32
      %eq3A_204 = vector.broadcast %eq3A_203 : i32 to vector<16xi32>
      %eq3A_205 = arith.cmpi eq, %iota3A, %eq3A_204 : vector<16xi32>
      %select_n3A_206 = arith.select %eq3A_205, %add3A_202, %select_n3A_182 : vector<16xi1>, vector<16xi32>
      %slice3A_207 = vector.extract_strided_slice %add3A_9 {offsets = [8], sizes = [1], strides = [1]} : vector<16xi32> to vector<1xi32>
      %squeeze3A_208 = vector.extract %slice3A_207[0] : i32 from vector<1xi32>
      %broadcast_in_dim3A_209 = vector.broadcast %squeeze3A_208 : i32 to vector<16xi32>
      %lt3A_210 = arith.cmpi slt, %add3A_9, %broadcast_in_dim3A_209 : vector<16xi32>
      %all_reduce_population_count3A_211 = tpu.all_reduce %lt3A_210 {dim = 0 : i64, kind = #tpu.reduction_kind<sum>} : vector<16xi1> -> vector<16xi32>
      %lt3A_212 = arith.cmpi slt, %add3A_16, %broadcast_in_dim3A_209 : vector<16xi32>
      %all_reduce_population_count3A_213 = tpu.all_reduce %lt3A_212 {dim = 0 : i64, kind = #tpu.reduction_kind<sum>} : vector<16xi1> -> vector<16xi32>
      %add3A_214 = arith.addi %all_reduce_population_count3A_211, %all_reduce_population_count3A_213 : vector<16xi32>
      %eq3A_215 = arith.constant 8 : i32
      %eq3A_216 = vector.broadcast %eq3A_215 : i32 to vector<16xi32>
      %eq3A_217 = arith.cmpi eq, %iota3A, %eq3A_216 : vector<16xi32>
      %select_n3A_218 = arith.select %eq3A_217, %add3A_214, %select_n3A_194 : vector<16xi1>, vector<16xi32>
      %slice3A_219 = vector.extract_strided_slice %add3A_16 {offsets = [8], sizes = [1], strides = [1]} : vector<16xi32> to vector<1xi32>
      %squeeze3A_220 = vector.extract %slice3A_219[0] : i32 from vector<1xi32>
      %broadcast_in_dim3A_221 = vector.broadcast %squeeze3A_220 : i32 to vector<16xi32>
      %lt3A_222 = arith.cmpi slt, %add3A_9, %broadcast_in_dim3A_221 : vector<16xi32>
      %all_reduce_population_count3A_223 = tpu.all_reduce %lt3A_222 {dim = 0 : i64, kind = #tpu.reduction_kind<sum>} : vector<16xi1> -> vector<16xi32>
      %lt3A_224 = arith.cmpi slt, %add3A_16, %broadcast_in_dim3A_221 : vector<16xi32>
      %all_reduce_population_count3A_225 = tpu.all_reduce %lt3A_224 {dim = 0 : i64, kind = #tpu.reduction_kind<sum>} : vector<16xi1> -> vector<16xi32>
      %add3A_226 = arith.addi %all_reduce_population_count3A_223, %all_reduce_population_count3A_225 : vector<16xi32>
      %eq3A_227 = arith.constant 8 : i32
      %eq3A_228 = vector.broadcast %eq3A_227 : i32 to vector<16xi32>
      %eq3A_229 = arith.cmpi eq, %iota3A, %eq3A_228 : vector<16xi32>
      %select_n3A_230 = arith.select %eq3A_229, %add3A_226, %select_n3A_206 : vector<16xi1>, vector<16xi32>
      %slice3A_231 = vector.extract_strided_slice %add3A_9 {offsets = [9], sizes = [1], strides = [1]} : vector<16xi32> to vector<1xi32>
      %squeeze3A_232 = vector.extract %slice3A_231[0] : i32 from vector<1xi32>
      %broadcast_in_dim3A_233 = vector.broadcast %squeeze3A_232 : i32 to vector<16xi32>
      %lt3A_234 = arith.cmpi slt, %add3A_9, %broadcast_in_dim3A_233 : vector<16xi32>
      %all_reduce_population_count3A_235 = tpu.all_reduce %lt3A_234 {dim = 0 : i64, kind = #tpu.reduction_kind<sum>} : vector<16xi1> -> vector<16xi32>
      %lt3A_236 = arith.cmpi slt, %add3A_16, %broadcast_in_dim3A_233 : vector<16xi32>
      %all_reduce_population_count3A_237 = tpu.all_reduce %lt3A_236 {dim = 0 : i64, kind = #tpu.reduction_kind<sum>} : vector<16xi1> -> vector<16xi32>
      %add3A_238 = arith.addi %all_reduce_population_count3A_235, %all_reduce_population_count3A_237 : vector<16xi32>
      %eq3A_239 = arith.constant 9 : i32
      %eq3A_240 = vector.broadcast %eq3A_239 : i32 to vector<16xi32>
      %eq3A_241 = arith.cmpi eq, %iota3A, %eq3A_240 : vector<16xi32>
      %select_n3A_242 = arith.select %eq3A_241, %add3A_238, %select_n3A_218 : vector<16xi1>, vector<16xi32>
      %slice3A_243 = vector.extract_strided_slice %add3A_16 {offsets = [9], sizes = [1], strides = [1]} : vector<16xi32> to vector<1xi32>
      %squeeze3A_244 = vector.extract %slice3A_243[0] : i32 from vector<1xi32>
      %broadcast_in_dim3A_245 = vector.broadcast %squeeze3A_244 : i32 to vector<16xi32>
      %lt3A_246 = arith.cmpi slt, %add3A_9, %broadcast_in_dim3A_245 : vector<16xi32>
      %all_reduce_population_count3A_247 = tpu.all_reduce %lt3A_246 {dim = 0 : i64, kind = #tpu.reduction_kind<sum>} : vector<16xi1> -> vector<16xi32>
      %lt3A_248 = arith.cmpi slt, %add3A_16, %broadcast_in_dim3A_245 : vector<16xi32>
      %all_reduce_population_count3A_249 = tpu.all_reduce %lt3A_248 {dim = 0 : i64, kind = #tpu.reduction_kind<sum>} : vector<16xi1> -> vector<16xi32>
      %add3A_250 = arith.addi %all_reduce_population_count3A_247, %all_reduce_population_count3A_249 : vector<16xi32>
      %eq3A_251 = arith.constant 9 : i32
      %eq3A_252 = vector.broadcast %eq3A_251 : i32 to vector<16xi32>
      %eq3A_253 = arith.cmpi eq, %iota3A, %eq3A_252 : vector<16xi32>
      %select_n3A_254 = arith.select %eq3A_253, %add3A_250, %select_n3A_230 : vector<16xi1>, vector<16xi32>
      %slice3A_255 = vector.extract_strided_slice %add3A_9 {offsets = [10], sizes = [1], strides = [1]} : vector<16xi32> to vector<1xi32>
      %squeeze3A_256 = vector.extract %slice3A_255[0] : i32 from vector<1xi32>
      %broadcast_in_dim3A_257 = vector.broadcast %squeeze3A_256 : i32 to vector<16xi32>
      %lt3A_258 = arith.cmpi slt, %add3A_9, %broadcast_in_dim3A_257 : vector<16xi32>
      %all_reduce_population_count3A_259 = tpu.all_reduce %lt3A_258 {dim = 0 : i64, kind = #tpu.reduction_kind<sum>} : vector<16xi1> -> vector<16xi32>
      %lt3A_260 = arith.cmpi slt, %add3A_16, %broadcast_in_dim3A_257 : vector<16xi32>
      %all_reduce_population_count3A_261 = tpu.all_reduce %lt3A_260 {dim = 0 : i64, kind = #tpu.reduction_kind<sum>} : vector<16xi1> -> vector<16xi32>
      %add3A_262 = arith.addi %all_reduce_population_count3A_259, %all_reduce_population_count3A_261 : vector<16xi32>
      %eq3A_263 = arith.constant 10 : i32
      %eq3A_264 = vector.broadcast %eq3A_263 : i32 to vector<16xi32>
      %eq3A_265 = arith.cmpi eq, %iota3A, %eq3A_264 : vector<16xi32>
      %select_n3A_266 = arith.select %eq3A_265, %add3A_262, %select_n3A_242 : vector<16xi1>, vector<16xi32>
      %slice3A_267 = vector.extract_strided_slice %add3A_16 {offsets = [10], sizes = [1], strides = [1]} : vector<16xi32> to vector<1xi32>
      %squeeze3A_268 = vector.extract %slice3A_267[0] : i32 from vector<1xi32>
      %broadcast_in_dim3A_269 = vector.broadcast %squeeze3A_268 : i32 to vector<16xi32>
      %lt3A_270 = arith.cmpi slt, %add3A_9, %broadcast_in_dim3A_269 : vector<16xi32>
      %all_reduce_population_count3A_271 = tpu.all_reduce %lt3A_270 {dim = 0 : i64, kind = #tpu.reduction_kind<sum>} : vector<16xi1> -> vector<16xi32>
      %lt3A_272 = arith.cmpi slt, %add3A_16, %broadcast_in_dim3A_269 : vector<16xi32>
      %all_reduce_population_count3A_273 = tpu.all_reduce %lt3A_272 {dim = 0 : i64, kind = #tpu.reduction_kind<sum>} : vector<16xi1> -> vector<16xi32>
      %add3A_274 = arith.addi %all_reduce_population_count3A_271, %all_reduce_population_count3A_273 : vector<16xi32>
      %eq3A_275 = arith.constant 10 : i32
      %eq3A_276 = vector.broadcast %eq3A_275 : i32 to vector<16xi32>
      %eq3A_277 = arith.cmpi eq, %iota3A, %eq3A_276 : vector<16xi32>
      %select_n3A_278 = arith.select %eq3A_277, %add3A_274, %select_n3A_254 : vector<16xi1>, vector<16xi32>
      %slice3A_279 = vector.extract_strided_slice %add3A_9 {offsets = [11], sizes = [1], strides = [1]} : vector<16xi32> to vector<1xi32>
      %squeeze3A_280 = vector.extract %slice3A_279[0] : i32 from vector<1xi32>
      %broadcast_in_dim3A_281 = vector.broadcast %squeeze3A_280 : i32 to vector<16xi32>
      %lt3A_282 = arith.cmpi slt, %add3A_9, %broadcast_in_dim3A_281 : vector<16xi32>
      %all_reduce_population_count3A_283 = tpu.all_reduce %lt3A_282 {dim = 0 : i64, kind = #tpu.reduction_kind<sum>} : vector<16xi1> -> vector<16xi32>
      %lt3A_284 = arith.cmpi slt, %add3A_16, %broadcast_in_dim3A_281 : vector<16xi32>
      %all_reduce_population_count3A_285 = tpu.all_reduce %lt3A_284 {dim = 0 : i64, kind = #tpu.reduction_kind<sum>} : vector<16xi1> -> vector<16xi32>
      %add3A_286 = arith.addi %all_reduce_population_count3A_283, %all_reduce_population_count3A_285 : vector<16xi32>
      %eq3A_287 = arith.constant 11 : i32
      %eq3A_288 = vector.broadcast %eq3A_287 : i32 to vector<16xi32>
      %eq3A_289 = arith.cmpi eq, %iota3A, %eq3A_288 : vector<16xi32>
      %select_n3A_290 = arith.select %eq3A_289, %add3A_286, %select_n3A_266 : vector<16xi1>, vector<16xi32>
      %slice3A_291 = vector.extract_strided_slice %add3A_16 {offsets = [11], sizes = [1], strides = [1]} : vector<16xi32> to vector<1xi32>
      %squeeze3A_292 = vector.extract %slice3A_291[0] : i32 from vector<1xi32>
      %broadcast_in_dim3A_293 = vector.broadcast %squeeze3A_292 : i32 to vector<16xi32>
      %lt3A_294 = arith.cmpi slt, %add3A_9, %broadcast_in_dim3A_293 : vector<16xi32>
      %all_reduce_population_count3A_295 = tpu.all_reduce %lt3A_294 {dim = 0 : i64, kind = #tpu.reduction_kind<sum>} : vector<16xi1> -> vector<16xi32>
      %lt3A_296 = arith.cmpi slt, %add3A_16, %broadcast_in_dim3A_293 : vector<16xi32>
      %all_reduce_population_count3A_297 = tpu.all_reduce %lt3A_296 {dim = 0 : i64, kind = #tpu.reduction_kind<sum>} : vector<16xi1> -> vector<16xi32>
      %add3A_298 = arith.addi %all_reduce_population_count3A_295, %all_reduce_population_count3A_297 : vector<16xi32>
      %eq3A_299 = arith.constant 11 : i32
      %eq3A_300 = vector.broadcast %eq3A_299 : i32 to vector<16xi32>
      %eq3A_301 = arith.cmpi eq, %iota3A, %eq3A_300 : vector<16xi32>
      %select_n3A_302 = arith.select %eq3A_301, %add3A_298, %select_n3A_278 : vector<16xi1>, vector<16xi32>
      %slice3A_303 = vector.extract_strided_slice %add3A_9 {offsets = [12], sizes = [1], strides = [1]} : vector<16xi32> to vector<1xi32>
      %squeeze3A_304 = vector.extract %slice3A_303[0] : i32 from vector<1xi32>
      %broadcast_in_dim3A_305 = vector.broadcast %squeeze3A_304 : i32 to vector<16xi32>
      %lt3A_306 = arith.cmpi slt, %add3A_9, %broadcast_in_dim3A_305 : vector<16xi32>
      %all_reduce_population_count3A_307 = tpu.all_reduce %lt3A_306 {dim = 0 : i64, kind = #tpu.reduction_kind<sum>} : vector<16xi1> -> vector<16xi32>
      %lt3A_308 = arith.cmpi slt, %add3A_16, %broadcast_in_dim3A_305 : vector<16xi32>
      %all_reduce_population_count3A_309 = tpu.all_reduce %lt3A_308 {dim = 0 : i64, kind = #tpu.reduction_kind<sum>} : vector<16xi1> -> vector<16xi32>
      %add3A_310 = arith.addi %all_reduce_population_count3A_307, %all_reduce_population_count3A_309 : vector<16xi32>
      %eq3A_311 = arith.constant 12 : i32
      %eq3A_312 = vector.broadcast %eq3A_311 : i32 to vector<16xi32>
      %eq3A_313 = arith.cmpi eq, %iota3A, %eq3A_312 : vector<16xi32>
      %select_n3A_314 = arith.select %eq3A_313, %add3A_310, %select_n3A_290 : vector<16xi1>, vector<16xi32>
      %slice3A_315 = vector.extract_strided_slice %add3A_16 {offsets = [12], sizes = [1], strides = [1]} : vector<16xi32> to vector<1xi32>
      %squeeze3A_316 = vector.extract %slice3A_315[0] : i32 from vector<1xi32>
      %broadcast_in_dim3A_317 = vector.broadcast %squeeze3A_316 : i32 to vector<16xi32>
      %lt3A_318 = arith.cmpi slt, %add3A_9, %broadcast_in_dim3A_317 : vector<16xi32>
      %all_reduce_population_count3A_319 = tpu.all_reduce %lt3A_318 {dim = 0 : i64, kind = #tpu.reduction_kind<sum>} : vector<16xi1> -> vector<16xi32>
      %lt3A_320 = arith.cmpi slt, %add3A_16, %broadcast_in_dim3A_317 : vector<16xi32>
      %all_reduce_population_count3A_321 = tpu.all_reduce %lt3A_320 {dim = 0 : i64, kind = #tpu.reduction_kind<sum>} : vector<16xi1> -> vector<16xi32>
      %add3A_322 = arith.addi %all_reduce_population_count3A_319, %all_reduce_population_count3A_321 : vector<16xi32>
      %eq3A_323 = arith.constant 12 : i32
      %eq3A_324 = vector.broadcast %eq3A_323 : i32 to vector<16xi32>
      %eq3A_325 = arith.cmpi eq, %iota3A, %eq3A_324 : vector<16xi32>
      %select_n3A_326 = arith.select %eq3A_325, %add3A_322, %select_n3A_302 : vector<16xi1>, vector<16xi32>
      %slice3A_327 = vector.extract_strided_slice %add3A_9 {offsets = [13], sizes = [1], strides = [1]} : vector<16xi32> to vector<1xi32>
      %squeeze3A_328 = vector.extract %slice3A_327[0] : i32 from vector<1xi32>
      %broadcast_in_dim3A_329 = vector.broadcast %squeeze3A_328 : i32 to vector<16xi32>
      %lt3A_330 = arith.cmpi slt, %add3A_9, %broadcast_in_dim3A_329 : vector<16xi32>
      %all_reduce_population_count3A_331 = tpu.all_reduce %lt3A_330 {dim = 0 : i64, kind = #tpu.reduction_kind<sum>} : vector<16xi1> -> vector<16xi32>
      %lt3A_332 = arith.cmpi slt, %add3A_16, %broadcast_in_dim3A_329 : vector<16xi32>
      %all_reduce_population_count3A_333 = tpu.all_reduce %lt3A_332 {dim = 0 : i64, kind = #tpu.reduction_kind<sum>} : vector<16xi1> -> vector<16xi32>
      %add3A_334 = arith.addi %all_reduce_population_count3A_331, %all_reduce_population_count3A_333 : vector<16xi32>
      %eq3A_335 = arith.constant 13 : i32
      %eq3A_336 = vector.broadcast %eq3A_335 : i32 to vector<16xi32>
      %eq3A_337 = arith.cmpi eq, %iota3A, %eq3A_336 : vector<16xi32>
      %select_n3A_338 = arith.select %eq3A_337, %add3A_334, %select_n3A_314 : vector<16xi1>, vector<16xi32>
      %slice3A_339 = vector.extract_strided_slice %add3A_16 {offsets = [13], sizes = [1], strides = [1]} : vector<16xi32> to vector<1xi32>
      %squeeze3A_340 = vector.extract %slice3A_339[0] : i32 from vector<1xi32>
      %broadcast_in_dim3A_341 = vector.broadcast %squeeze3A_340 : i32 to vector<16xi32>
      %lt3A_342 = arith.cmpi slt, %add3A_9, %broadcast_in_dim3A_341 : vector<16xi32>
      %all_reduce_population_count3A_343 = tpu.all_reduce %lt3A_342 {dim = 0 : i64, kind = #tpu.reduction_kind<sum>} : vector<16xi1> -> vector<16xi32>
      %lt3A_344 = arith.cmpi slt, %add3A_16, %broadcast_in_dim3A_341 : vector<16xi32>
      %all_reduce_population_count3A_345 = tpu.all_reduce %lt3A_344 {dim = 0 : i64, kind = #tpu.reduction_kind<sum>} : vector<16xi1> -> vector<16xi32>
      %add3A_346 = arith.addi %all_reduce_population_count3A_343, %all_reduce_population_count3A_345 : vector<16xi32>
      %eq3A_347 = arith.constant 13 : i32
      %eq3A_348 = vector.broadcast %eq3A_347 : i32 to vector<16xi32>
      %eq3A_349 = arith.cmpi eq, %iota3A, %eq3A_348 : vector<16xi32>
      %select_n3A_350 = arith.select %eq3A_349, %add3A_346, %select_n3A_326 : vector<16xi1>, vector<16xi32>
      %slice3A_351 = vector.extract_strided_slice %add3A_9 {offsets = [14], sizes = [1], strides = [1]} : vector<16xi32> to vector<1xi32>
      %squeeze3A_352 = vector.extract %slice3A_351[0] : i32 from vector<1xi32>
      %broadcast_in_dim3A_353 = vector.broadcast %squeeze3A_352 : i32 to vector<16xi32>
      %lt3A_354 = arith.cmpi slt, %add3A_9, %broadcast_in_dim3A_353 : vector<16xi32>
      %all_reduce_population_count3A_355 = tpu.all_reduce %lt3A_354 {dim = 0 : i64, kind = #tpu.reduction_kind<sum>} : vector<16xi1> -> vector<16xi32>
      %lt3A_356 = arith.cmpi slt, %add3A_16, %broadcast_in_dim3A_353 : vector<16xi32>
      %all_reduce_population_count3A_357 = tpu.all_reduce %lt3A_356 {dim = 0 : i64, kind = #tpu.reduction_kind<sum>} : vector<16xi1> -> vector<16xi32>
      %add3A_358 = arith.addi %all_reduce_population_count3A_355, %all_reduce_population_count3A_357 : vector<16xi32>
      %eq3A_359 = arith.constant 14 : i32
      %eq3A_360 = vector.broadcast %eq3A_359 : i32 to vector<16xi32>
      %eq3A_361 = arith.cmpi eq, %iota3A, %eq3A_360 : vector<16xi32>
      %select_n3A_362 = arith.select %eq3A_361, %add3A_358, %select_n3A_338 : vector<16xi1>, vector<16xi32>
      %slice3A_363 = vector.extract_strided_slice %add3A_16 {offsets = [14], sizes = [1], strides = [1]} : vector<16xi32> to vector<1xi32>
      %squeeze3A_364 = vector.extract %slice3A_363[0] : i32 from vector<1xi32>
      %broadcast_in_dim3A_365 = vector.broadcast %squeeze3A_364 : i32 to vector<16xi32>
      %lt3A_366 = arith.cmpi slt, %add3A_9, %broadcast_in_dim3A_365 : vector<16xi32>
      %all_reduce_population_count3A_367 = tpu.all_reduce %lt3A_366 {dim = 0 : i64, kind = #tpu.reduction_kind<sum>} : vector<16xi1> -> vector<16xi32>
      %lt3A_368 = arith.cmpi slt, %add3A_16, %broadcast_in_dim3A_365 : vector<16xi32>
      %all_reduce_population_count3A_369 = tpu.all_reduce %lt3A_368 {dim = 0 : i64, kind = #tpu.reduction_kind<sum>} : vector<16xi1> -> vector<16xi32>
      %add3A_370 = arith.addi %all_reduce_population_count3A_367, %all_reduce_population_count3A_369 : vector<16xi32>
      %eq3A_371 = arith.constant 14 : i32
      %eq3A_372 = vector.broadcast %eq3A_371 : i32 to vector<16xi32>
      %eq3A_373 = arith.cmpi eq, %iota3A, %eq3A_372 : vector<16xi32>
      %select_n3A_374 = arith.select %eq3A_373, %add3A_370, %select_n3A_350 : vector<16xi1>, vector<16xi32>
      %slice3A_375 = vector.extract_strided_slice %add3A_9 {offsets = [15], sizes = [1], strides = [1]} : vector<16xi32> to vector<1xi32>
      %squeeze3A_376 = vector.extract %slice3A_375[0] : i32 from vector<1xi32>
      %broadcast_in_dim3A_377 = vector.broadcast %squeeze3A_376 : i32 to vector<16xi32>
      %lt3A_378 = arith.cmpi slt, %add3A_9, %broadcast_in_dim3A_377 : vector<16xi32>
      %all_reduce_population_count3A_379 = tpu.all_reduce %lt3A_378 {dim = 0 : i64, kind = #tpu.reduction_kind<sum>} : vector<16xi1> -> vector<16xi32>
      %lt3A_380 = arith.cmpi slt, %add3A_16, %broadcast_in_dim3A_377 : vector<16xi32>
      %all_reduce_population_count3A_381 = tpu.all_reduce %lt3A_380 {dim = 0 : i64, kind = #tpu.reduction_kind<sum>} : vector<16xi1> -> vector<16xi32>
      %add3A_382 = arith.addi %all_reduce_population_count3A_379, %all_reduce_population_count3A_381 : vector<16xi32>
      %eq3A_383 = arith.constant 15 : i32
      %eq3A_384 = vector.broadcast %eq3A_383 : i32 to vector<16xi32>
      %eq3A_385 = arith.cmpi eq, %iota3A, %eq3A_384 : vector<16xi32>
      %select_n3A_386 = arith.select %eq3A_385, %add3A_382, %select_n3A_362 : vector<16xi1>, vector<16xi32>
      %slice3A_387 = vector.extract_strided_slice %add3A_16 {offsets = [15], sizes = [1], strides = [1]} : vector<16xi32> to vector<1xi32>
      %squeeze3A_388 = vector.extract %slice3A_387[0] : i32 from vector<1xi32>
      %broadcast_in_dim3A_389 = vector.broadcast %squeeze3A_388 : i32 to vector<16xi32>
      %lt3A_390 = arith.cmpi slt, %add3A_9, %broadcast_in_dim3A_389 : vector<16xi32>
      %all_reduce_population_count3A_391 = tpu.all_reduce %lt3A_390 {dim = 0 : i64, kind = #tpu.reduction_kind<sum>} : vector<16xi1> -> vector<16xi32>
      %lt3A_392 = arith.cmpi slt, %add3A_16, %broadcast_in_dim3A_389 : vector<16xi32>
      %all_reduce_population_count3A_393 = tpu.all_reduce %lt3A_392 {dim = 0 : i64, kind = #tpu.reduction_kind<sum>} : vector<16xi1> -> vector<16xi32>
      %add3A_394 = arith.addi %all_reduce_population_count3A_391, %all_reduce_population_count3A_393 : vector<16xi32>
      %eq3A_395 = arith.constant 15 : i32
      %eq3A_396 = vector.broadcast %eq3A_395 : i32 to vector<16xi32>
      %eq3A_397 = arith.cmpi eq, %iota3A, %eq3A_396 : vector<16xi32>
      %select_n3A_398 = arith.select %eq3A_397, %add3A_394, %select_n3A_374 : vector<16xi1>, vector<16xi32>
      %get3A_399 = arith.constant 0 : index
      %get3A_400 = tpu.vector_load %arg8[%get3A_399] {strides = array<i32>} : memref<32xf32, #tpu.memory_space<vmem>>, vector<16xf32>,
      %get3A_401 = arith.constant 16 : index
      %get3A_402 = tpu.vector_load %arg8[%get3A_401] {strides = array<i32>} : memref<32xf32, #tpu.memory_space<vmem>>, vector<16xf32>,
      tpu.vector_store_idx %arg9[%select_n3A_386], %get3A_3 : memref<32xi32, #tpu.memory_space<vmem>>[vector<16xi32>], vector<16xi32>,
      tpu.vector_store_idx %arg9[%select_n3A_398], %get3A_5 : memref<32xi32, #tpu.memory_space<vmem>>[vector<16xi32>], vector<16xi32>,
      tpu.vector_store_idx %arg10[%select_n3A_386], %iota3A : memref<32xi32, #tpu.memory_space<vmem>>[vector<16xi32>], vector<16xi32>,
      %add3A_403 = arith.constant 16 : i32
      %add3A_404 = vector.broadcast %add3A_403 : i32 to vector<16xi32>
      %add3A_405 = arith.addi %iota3A, %add3A_404 : vector<16xi32>
      tpu.vector_store_idx %arg10[%select_n3A_398], %add3A_405 : memref<32xi32, #tpu.memory_space<vmem>>[vector<16xi32>], vector<16xi32>,
      tpu.vector_store_idx %arg11[%select_n3A_386], %get3A_400 : memref<32xf32, #tpu.memory_space<vmem>>[vector<16xi32>], vector<16xf32>,
      tpu.vector_store_idx %arg11[%select_n3A_398], %get3A_402 : memref<32xf32, #tpu.memory_space<vmem>>[vector<16xi32>], vector<16xf32>,
      "tpu.region"() ({
        %run_scoped3A = tpu.sem_alloc : memref<!tpu.dma_semaphore, #tpu.memory_space<semaphore_mem>>
        tpu.enqueue_dma source(%arg9 : memref<32xi32, #tpu.memory_space<vmem>>) target(%arg4 : memref<32xi32, #tpu.memory_space<hbm>>) target_semaphore(%run_scoped3A : memref<!tpu.dma_semaphore, #tpu.memory_space<semaphore_mem>>)
        tpu.wait_dma2 semaphore(%run_scoped3A : memref<!tpu.dma_semaphore, #tpu.memory_space<semaphore_mem>>) src(%arg9 : memref<32xi32, #tpu.memory_space<vmem>>) dst(%arg4 : memref<32xi32, #tpu.memory_space<hbm>>)
        tpu.yield
      }) : () -> ()
      "tpu.region"() ({
        %run_scoped3A = tpu.sem_alloc : memref<!tpu.dma_semaphore, #tpu.memory_space<semaphore_mem>>
        tpu.enqueue_dma source(%arg10 : memref<32xi32, #tpu.memory_space<vmem>>) target(%arg5 : memref<32xi32, #tpu.memory_space<hbm>>) target_semaphore(%run_scoped3A : memref<!tpu.dma_semaphore, #tpu.memory_space<semaphore_mem>>)
        tpu.wait_dma2 semaphore(%run_scoped3A : memref<!tpu.dma_semaphore, #tpu.memory_space<semaphore_mem>>) src(%arg10 : memref<32xi32, #tpu.memory_space<vmem>>) dst(%arg5 : memref<32xi32, #tpu.memory_space<hbm>>)
        tpu.yield
      }) : () -> ()
      "tpu.region"() ({
        %run_scoped3A = tpu.sem_alloc : memref<!tpu.dma_semaphore, #tpu.memory_space<semaphore_mem>>
        tpu.enqueue_dma source(%arg11 : memref<32xf32, #tpu.memory_space<vmem>>) target(%arg6 : memref<32xf32, #tpu.memory_space<hbm>>) target_semaphore(%run_scoped3A : memref<!tpu.dma_semaphore, #tpu.memory_space<semaphore_mem>>)
        tpu.wait_dma2 semaphore(%run_scoped3A : memref<!tpu.dma_semaphore, #tpu.memory_space<semaphore_mem>>) src(%arg11 : memref<32xf32, #tpu.memory_space<vmem>>) dst(%arg6 : memref<32xf32, #tpu.memory_space<hbm>>)
        tpu.yield
      }) : () -> ()
    } else {
    }
    return
  }
}

module attributes {stable_mosaic.version = 14 : i64} {
  func.func @_ffn_kernel(%arg0: i32, %arg1: memref<32xi32, #tpu.memory_space<smem>>, %arg2: memref<32xi32, #tpu.memory_space<smem>>, %arg3: memref<32xf32, #tpu.memory_space<smem>>, %arg4: memref<1x1x2048xf32, #tpu.memory_space<vmem>>, %arg5: memref<1x512x2048xf32, #tpu.memory_space<vmem>>, %arg6: memref<1x512x2048xf32, #tpu.memory_space<vmem>>, %arg7: memref<1x2048x512xf32, #tpu.memory_space<vmem>>, %arg8: memref<1x1x2048xf32, #tpu.memory_space<vmem>>) attributes {dimension_semantics = [#tpu.dimension_semantics<arbitrary>], iteration_bounds = array<i64: 32>, scalar_prefetch = 3 : i64, scratch_operands = 0 : i64, tpu.core_type = #tpu.core_type<tc>, window_params = [{transform_indices = @transform_0, window_bounds = array<i64: 1, 1, 2048>}, {transform_indices = @transform_1, window_bounds = array<i64: 1, 512, 2048>}, {transform_indices = @transform_2, window_bounds = array<i64: 1, 512, 2048>}, {transform_indices = @transform_3, window_bounds = array<i64: 1, 2048, 512>}, {transform_indices = @transform_4, window_bounds = array<i64: 1, 1, 2048>}]} {
    %get3A = arith.constant 0 : index
    %get3A_0 = arith.constant 0 : index
    %get3A_1 = arith.constant 0 : index
    %get3A_2 = vector.load %arg4[%get3A, %get3A_0, %get3A_1] : memref<1x1x2048xf32, #tpu.memory_space<vmem>>, vector<1x1x2048xf32>
    %get3A_3 = vector.shape_cast %get3A_2 : vector<1x1x2048xf32> to vector<1x2048xf32>
    %get3A_4 = arith.constant 0 : index
    %get3A_5 = arith.constant 0 : index
    %get3A_6 = arith.constant 0 : index
    %get3A_7 = vector.load %arg5[%get3A_4, %get3A_5, %get3A_6] : memref<1x512x2048xf32, #tpu.memory_space<vmem>>, vector<1x512x2048xf32>
    %get3A_8 = vector.shape_cast %get3A_7 : vector<1x512x2048xf32> to vector<512x2048xf32>
    %get3A_9 = arith.constant 0 : index
    %get3A_10 = arith.constant 0 : index
    %get3A_11 = arith.constant 0 : index
    %get3A_12 = vector.load %arg6[%get3A_9, %get3A_10, %get3A_11] : memref<1x512x2048xf32, #tpu.memory_space<vmem>>, vector<1x512x2048xf32>
    %get3A_13 = vector.shape_cast %get3A_12 : vector<1x512x2048xf32> to vector<512x2048xf32>
    %get3A_14 = arith.constant 0 : index
    %get3A_15 = arith.constant 0 : index
    %get3A_16 = arith.constant 0 : index
    %get3A_17 = vector.load %arg7[%get3A_14, %get3A_15, %get3A_16] : memref<1x2048x512xf32, #tpu.memory_space<vmem>>, vector<1x2048x512xf32>
    %get3A_18 = vector.shape_cast %get3A_17 : vector<1x2048x512xf32> to vector<2048x512xf32>
    %dot_general3A = arith.constant dense<0.000000e+00> : vector<1x512xf32>
    %dot_general3A_19 = tpu.matmul %get3A_3, %get3A_8, %dot_general3A {dimension_numbers = #tpu.dot_dimension_numbers<[1], [1], [0], [0], [0, 0, 1, 0], [], []>, transpose_lhs_hint = false} : vector<1x2048xf32>, vector<512x2048xf32>, vector<1x512xf32> -> vector<1x512xf32>
    %dot_general3A_20 = arith.constant dense<0.000000e+00> : vector<1x512xf32>
    %dot_general3A_21 = tpu.matmul %get3A_3, %get3A_13, %dot_general3A_20 {dimension_numbers = #tpu.dot_dimension_numbers<[1], [1], [0], [0], [0, 0, 1, 0], [], []>, transpose_lhs_hint = false} : vector<1x2048xf32>, vector<512x2048xf32>, vector<1x512xf32> -> vector<1x512xf32>
    %logistic3A = arith.negf %dot_general3A_19 : vector<1x512xf32>
    %logistic3A_22 = math.exp %logistic3A : vector<1x512xf32>
    %logistic3A_23 = arith.constant 1.000000e+00 : f32
    %logistic3A_24 = vector.broadcast %logistic3A_23 : f32 to vector<1x512xf32>
    %logistic3A_25 = arith.addf %logistic3A_24, %logistic3A_22 : vector<1x512xf32>
    %logistic3A_26 = arith.divf %logistic3A_24, %logistic3A_25 : vector<1x512xf32>
    %mul3A = arith.mulf %dot_general3A_19, %logistic3A_26 : vector<1x512xf32>
    %mul3A_27 = arith.mulf %mul3A, %dot_general3A_21 : vector<1x512xf32>
    %dot_general3A_28 = arith.constant dense<0.000000e+00> : vector<1x2048xf32>
    %dot_general3A_29 = tpu.matmul %mul3A_27, %get3A_18, %dot_general3A_28 {dimension_numbers = #tpu.dot_dimension_numbers<[1], [1], [0], [0], [0, 0, 1, 0], [], []>, transpose_lhs_hint = false} : vector<1x512xf32>, vector<2048x512xf32>, vector<1x2048xf32> -> vector<1x2048xf32>
    %get3A_30 = arith.index_cast %arg0 : i32 to index
    %get3A_31 = memref.load %arg3[%get3A_30] : memref<32xf32, #tpu.memory_space<smem>>
    %mul3A_32 = vector.broadcast %get3A_31 : f32 to vector<1x2048xf32>
    %mul3A_33 = arith.mulf %dot_general3A_29, %mul3A_32 : vector<1x2048xf32>
    %swap3A = arith.constant 0 : index
    %swap3A_34 = arith.constant 0 : index
    %swap3A_35 = arith.constant 0 : index
    %swap3A_36 = vector.load %arg8[%swap3A, %swap3A_34, %swap3A_35] : memref<1x1x2048xf32, #tpu.memory_space<vmem>>, vector<1x1x2048xf32>
    %swap3A_37 = vector.shape_cast %swap3A_36 : vector<1x1x2048xf32> to vector<1x2048xf32>
    %swap3A_38 = vector.shape_cast %mul3A_33 : vector<1x2048xf32> to vector<1x1x2048xf32>
    tpu.vector_store %arg8[%swap3A, %swap3A_34, %swap3A_35], %swap3A_38 {strides = array<i32>} : memref<1x1x2048xf32, #tpu.memory_space<vmem>>, vector<1x1x2048xf32>,
    return
  }
  func.func @transform_0(%arg0: i32, %arg1: memref<32xi32, #tpu.memory_space<smem>>, %arg2: memref<32xi32, #tpu.memory_space<smem>>, %arg3: memref<32xf32, #tpu.memory_space<smem>>) -> (i32, i32, i32) {
    %get3A = arith.index_cast %arg0 : i32 to index
    %get3A_0 = memref.load %arg2[%get3A] : memref<32xi32, #tpu.memory_space<smem>>
    %c0_i32 = arith.constant 0 : i32
    %c0_i32_1 = arith.constant 0 : i32
    %c0_i32_2 = arith.constant 0 : i32
    return %get3A_0, %c0_i32, %c0_i32_1 : i32, i32, i32
  }
  func.func @transform_1(%arg0: i32, %arg1: memref<32xi32, #tpu.memory_space<smem>>, %arg2: memref<32xi32, #tpu.memory_space<smem>>, %arg3: memref<32xf32, #tpu.memory_space<smem>>) -> (i32, i32, i32) {
    %get3A = arith.index_cast %arg0 : i32 to index
    %get3A_0 = memref.load %arg1[%get3A] : memref<32xi32, #tpu.memory_space<smem>>
    %c0_i32 = arith.constant 0 : i32
    %c0_i32_1 = arith.constant 0 : i32
    %c0_i32_2 = arith.constant 0 : i32
    return %get3A_0, %c0_i32, %c0_i32_1 : i32, i32, i32
  }
  func.func @transform_2(%arg0: i32, %arg1: memref<32xi32, #tpu.memory_space<smem>>, %arg2: memref<32xi32, #tpu.memory_space<smem>>, %arg3: memref<32xf32, #tpu.memory_space<smem>>) -> (i32, i32, i32) {
    %get3A = arith.index_cast %arg0 : i32 to index
    %get3A_0 = memref.load %arg1[%get3A] : memref<32xi32, #tpu.memory_space<smem>>
    %c0_i32 = arith.constant 0 : i32
    %c0_i32_1 = arith.constant 0 : i32
    %c0_i32_2 = arith.constant 0 : i32
    return %get3A_0, %c0_i32, %c0_i32_1 : i32, i32, i32
  }
  func.func @transform_3(%arg0: i32, %arg1: memref<32xi32, #tpu.memory_space<smem>>, %arg2: memref<32xi32, #tpu.memory_space<smem>>, %arg3: memref<32xf32, #tpu.memory_space<smem>>) -> (i32, i32, i32) {
    %get3A = arith.index_cast %arg0 : i32 to index
    %get3A_0 = memref.load %arg1[%get3A] : memref<32xi32, #tpu.memory_space<smem>>
    %c0_i32 = arith.constant 0 : i32
    %c0_i32_1 = arith.constant 0 : i32
    %c0_i32_2 = arith.constant 0 : i32
    return %get3A_0, %c0_i32, %c0_i32_1 : i32, i32, i32
  }
  func.func @transform_4(%arg0: i32, %arg1: memref<32xi32, #tpu.memory_space<smem>>, %arg2: memref<32xi32, #tpu.memory_space<smem>>, %arg3: memref<32xf32, #tpu.memory_space<smem>>) -> (i32, i32, i32) {
    %get3A = arith.index_cast %arg0 : i32 to index
    %get3A_0 = memref.load %arg2[%get3A] : memref<32xi32, #tpu.memory_space<smem>>
    %c0_i32 = arith.constant 0 : i32
    %c0_i32_1 = arith.constant 0 : i32
    %c0_i32_2 = arith.constant 0 : i32
    return %get3A_0, %c0_i32, %c0_i32_1 : i32, i32, i32
  }
}

module attributes {stable_mosaic.version = 14 : i64} {
  func.func @_gate_kernel(%arg0: memref<32x2048xf32, #tpu.memory_space<vmem>>, %arg1: memref<64x2048xf32, #tpu.memory_space<vmem>>, %arg2: memref<1x32xi32, #tpu.memory_space<vmem>>, %arg3: memref<1x32xf32, #tpu.memory_space<vmem>>) attributes {dimension_semantics = [], scalar_prefetch = 0 : i64, scratch_operands = 0 : i64, tpu.core_type = #tpu.core_type<tc>} {
    %get3A = arith.constant 0 : index
    %get3A_0 = arith.constant 0 : index
    %get3A_1 = vector.load %arg0[%get3A, %get3A_0] : memref<32x2048xf32, #tpu.memory_space<vmem>>, vector<32x2048xf32>
    %get3A_2 = arith.constant 0 : index
    %get3A_3 = arith.constant 0 : index
    %get3A_4 = vector.load %arg1[%get3A_2, %get3A_3] : memref<64x2048xf32, #tpu.memory_space<vmem>>, vector<64x2048xf32>
    %dot_general3A = arith.constant dense<0.000000e+00> : vector<32x64xf32>
    %dot_general3A_5 = tpu.matmul %get3A_1, %get3A_4, %dot_general3A {dimension_numbers = #tpu.dot_dimension_numbers<[1], [1], [0], [0], [0, 0, 1, 0], [], []>, transpose_lhs_hint = false} : vector<32x2048xf32>, vector<64x2048xf32>, vector<32x64xf32> -> vector<32x64xf32>
    %reduce_max3A = arith.constant dense<0xFF800000> : vector<32xf32>
    %reduce_max3A_6 = vector.multi_reduction <maximumf>, %dot_general3A_5, %reduce_max3A [1] : vector<32x64xf32> to vector<32xf32>
    %broadcast_in_dim3A = vector.shape_cast %reduce_max3A_6 : vector<32xf32> to vector<32x1xf32>
    %sub3A = vector.broadcast %broadcast_in_dim3A : vector<32x1xf32> to vector<32x64xf32>
    %sub3A_7 = arith.subf %dot_general3A_5, %sub3A : vector<32x64xf32>
    %exp3A = math.exp %sub3A_7 : vector<32x64xf32>
    %reduce_sum3A = arith.constant dense<0.000000e+00> : vector<32xf32>
    %reduce_sum3A_8 = vector.multi_reduction <add>, %exp3A, %reduce_sum3A [1] : vector<32x64xf32> to vector<32xf32>
    %broadcast_in_dim3A_9 = vector.shape_cast %reduce_sum3A_8 : vector<32xf32> to vector<32x1xf32>
    %div3A = arith.constant 1.000000e+00 : f32
    %div3A_10 = vector.broadcast %div3A : f32 to vector<32x1xf32>
    %div3A_11 = arith.divf %div3A_10, %broadcast_in_dim3A_9 : vector<32x1xf32>
    %iota3A = tpu.iota {dimensions = array<i32: 1>} : vector<32x64xi32>
    %eq3A = vector.broadcast %broadcast_in_dim3A : vector<32x1xf32> to vector<32x64xf32>
    %eq3A_12 = arith.cmpf oeq, %dot_general3A_5, %eq3A : vector<32x64xf32>
    %jit3A = arith.constant 64 : i32
    %broadcast_in_dim3A_13 = vector.broadcast %jit3A : i32 to vector<32x64xi32>
    %select_n3A = arith.select %eq3A_12, %iota3A, %broadcast_in_dim3A_13 : vector<32x64xi1>, vector<32x64xi32>
    %reduce_min3A = arith.constant dense<2147483647> : vector<32xi32>
    %reduce_min3A_14 = vector.multi_reduction <minsi>, %select_n3A, %reduce_min3A [1] : vector<32x64xi32> to vector<32xi32>
    %swap3A = arith.constant 0 : index
    %swap3A_15 = arith.constant 0 : index
    %swap3A_16 = vector.load %arg2[%swap3A, %swap3A_15] : memref<1x32xi32, #tpu.memory_space<vmem>>, vector<1x32xi32>
    %swap3A_17 = vector.shape_cast %swap3A_16 : vector<1x32xi32> to vector<32xi32>
    %swap3A_18 = vector.shape_cast %reduce_min3A_14 : vector<32xi32> to vector<1x32xi32>
    tpu.vector_store %arg2[%swap3A, %swap3A_15], %swap3A_18 {strides = array<i32>} : memref<1x32xi32, #tpu.memory_space<vmem>>, vector<1x32xi32>,
    %squeeze3A = vector.shape_cast %div3A_11 : vector<32x1xf32> to vector<32xf32>
    %swap3A_19 = arith.constant 0 : index
    %swap3A_20 = arith.constant 0 : index
    %swap3A_21 = vector.load %arg3[%swap3A_19, %swap3A_20] : memref<1x32xf32, #tpu.memory_space<vmem>>, vector<1x32xf32>
    %swap3A_22 = vector.shape_cast %swap3A_21 : vector<1x32xf32> to vector<32xf32>
    %swap3A_23 = vector.shape_cast %squeeze3A : vector<32xf32> to vector<1x32xf32>
    tpu.vector_store %arg3[%swap3A_19, %swap3A_20], %swap3A_23 {strides = array<i32>} : memref<1x32xf32, #tpu.memory_space<vmem>>, vector<1x32xf32>,
    return
  }
}

</mosaic_0001>

<sc_bundles>
// kernel: kernel.5.cloned.1.call-start
scs
__scs_entry_jumppad:
0x0: {  	(pc) =	sbr.rel $0x88, $3  }
0x1: {  	(tag) =	ssettag $0x0;
	lr =	simm.s32 $0x1  }
0x2: {  	[smem:$0x3F9C] =	sst lr;
	_ =	strace $0xD0000000  }
0x3: {  	_ = 	snop  }
0x4: {  	_ = 	snop  }
0x5: {  	_ = 	snop  }
0x6: {  	_ = 	snop  }
0x7: {  	_ = 	snop  }
__scs_overlays_trampoline_lowered:
0x8: {  	[smem:$0x3FAB] =	sst s0  }
0x9: {  	[smem:$0x3FAC] =	sst s1  }
0xa: {  	[smem:$0x3FAD] =	sst s2  }
0xb: {  	[smem:$0x3FAE] =	sst s3  }
0xc: {  	[smem:$0x3FAF] =	sst s4  }
0xd: {  	[smem:$0x3FB0] =	sst s5  }
0xe: {  	[smem:$0x3FB1] =	sst s6  }
0xf: {  	[smem:$0x3FB2] =	sst s7  }
0x10: {  	[smem:$0x3FB3] =	sst s8  }
0x11: {  	[smem:$0x3FB4] =	sst s9;
	s0 =	simm.s32 @!p0 $0x0  }
0x12: {  	s1 =	sld [smem:$0x3F9A];
	s0 =	simm.s32 @p0 $0x1  }
0x13: {  	[smem:$0x3FB5] =	sst s0;
	s0 =	simm.s32 @!p1 $0x0  }
0x14: {  	s2 =	sld [smem:$0x3F99];
	s0 =	simm.s32 @p1 $0x1  }
0x15: {  	[smem:$0x3FB6] =	sst s0;
	s0 =	simm.s32 @!p2 $0x0  }
0x16: {  	s3 =	sld [smem:$0x3FDB];
	s0 =	simm.s32 @p2 $0x1  }
0x17: {  	s4 =	simm.s32 $0x1BF5;
	[smem:$0x3FB8] =	sst s0  }
0x18: {  	s0 =	sld [smem:$0x3F9B];
	_ =	swait.ge [sflag:s4], $0x0  }
0x19: {  	s7 =	sld [smem:$0x3F9C]  }
0x1a: {  	s8 =	sadd.s32 $0xFFFFE003, lr  }
0x1b: {  	s9 =	sadd.s32 $0xFFFFFEF7, lr;
	s5 =	simm.s32 $0xFFFFFFFF;
	p2 =	slt.u32 s8, $0xFFFFF086  }
0x1c: {  	p1 =	slt.u32 s9, $0xF7A;
	s5 =	simm.s32 @!p2 $0x0  }
0x1d: {  	s5 =	simm.s32 @p1 $0x1;
	p0 =	seq.s32 s7, s2  }
0x1e: {  	s7 =	smul.u32 @!p0 $0xF7A, s2;
	p2 =	seq.s32 @!p0 s5, $0x0  }
0x1f: {  	s9 =	smul.u32 $0xF7A, s1;
	s8 =	simm.s32 @!p0 $0x1BF5;
	p2 =	por !p2, p0  }
0x20: {  	[sflag:s8] =	ssyncset.s32 @!p0 $0xFFFFF086;
	s6 =	sadd.s32 @!p0 s3, s7;
	s7 =	simm.s32 @!p0 $0x108  }
0x21: {  	s3 =	sadd.s32 s3, s9;
	s6 =	sadd.s32 @!p0 $0x88, s6;
	s7 =	simm.s32 @p2 $0x1082  }
0x22: {  	[simem:s7], [sflag:s8] =	dma.local @!p0 [hbm:s6], $0xF7A  }
0x23: {  	s9 =	sor.u32 $0xD0000000, s2;
	s6 =	simm.s32 $0x108;
	_ =	swait.ge @!p0 [sflag:s8], $0x0  }
0x24: {  	s3 =	sadd.s32 $0x88, s3;
	s6 =	simm.s32 @!p1 $0x1082;
	[sflag:s4] =	ssyncset.s32 $0xFFFFF086  }
0x25: {  	[simem:s6], [sflag:s4] =	dma.local [hbm:s3], $0xF7A  }
0x26: {  	[smem:$0x3F9C] =	sst s1;
	(tag) =	ssettag s2;
	_ =	strace s9  }
0x27: {  	s1 =	sld [smem:$0x3FAC]  }
0x28: {  	s2 =	sld [smem:$0x3FAD]  }
0x29: {  	s4 =	sld [smem:$0x3FAF]  }
0x2a: {  	p0 =	seq.s32 s5, $0x0;
	s5 =	sld [smem:$0x3FB0]  }
0x2b: {  	s6 =	sld [smem:$0x3FB1]  }
0x2c: {  	s7 =	sld [smem:$0x3FB2]  }
0x2d: {  	s3 =	simm.s32 $0x108;
	s8 =	sld [smem:$0x3FB3]  }
0x2e: {  	s3 =	simm.s32 @!p0 $0x1082;
	s9 =	sld [smem:$0x3FB4]  }
0x2f: {  	lr =	sadd.s32 s0, s3;
	s0 =	sld [smem:$0x3FAB]  }
0x30: {  	s3 =	sld [smem:$0x3FAE]  }
0x31: {  	[smem:$0x3FB7] =	sst s10  }
0x32: {  	s10 =	sld [smem:$0x3FB5];
	_ =	sdelay $0x3  }
0x33: {  	p0 =	seq.s32 s10, $0x1;
	s10 =	sld [smem:$0x3FB7];
	_ =	sdelay $0x3  }
0x34: {  	[smem:$0x3FB7] =	sst s10  }
0x35: {  	s10 =	sld [smem:$0x3FB6];
	_ =	sdelay $0x3  }
0x36: {  	p1 =	seq.s32 s10, $0x1;
	s10 =	sld [smem:$0x3FB7];
	_ =	sdelay $0x3  }
0x37: {  	[smem:$0x3FB7] =	sst s10  }
0x38: {  	s10 =	sld [smem:$0x3FB8]  }
0x39: {  	_ = 	snop;
	(pc) =	sbr.ind lr, $3  }
0x3a: {  	_ = 	snop  }
0x3b: {  	_ = 	snop  }
0x3c: {  	p2 =	seq.s32 s10, $0x1;
	s10 =	sld [smem:$0x3FB7]  }
0x3d: {  	_ =	shalt  }
0x3e: {  	_ =	shalt  }
0x3f: {  	_ =	shalt  }
0x40: {  	_ =	shalt  }
0x41: {  	_ =	shalt  }
0x42: {  	_ =	shalt  }
0x43: {  	_ =	shalt  }
0x44: {  	_ =	shalt  }
0x45: {  	_ =	shalt  }
0x46: {  	_ =	shalt  }
0x47: {  	_ =	shalt  }
0x48: {  	_ =	shalt  }
0x49: {  	_ =	shalt  }
0x4a: {  	_ =	shalt  }
0x4b: {  	_ =	shalt  }
0x4c: {  	_ =	shalt  }
0x4d: {  	_ =	shalt  }
0x4e: {  	_ =	shalt  }
0x4f: {  	_ =	shalt  }
0x50: {  	_ =	shalt  }
0x51: {  	_ =	shalt  }
0x52: {  	_ =	shalt  }
0x53: {  	_ =	shalt  }
0x54: {  	_ =	shalt  }
0x55: {  	_ =	shalt  }
0x56: {  	_ =	shalt  }
0x57: {  	_ =	shalt  }
0x58: {  	_ =	shalt  }
0x59: {  	_ =	shalt  }
0x5a: {  	_ =	shalt  }
0x5b: {  	_ =	shalt  }
0x5c: {  	_ =	shalt  }
0x5d: {  	_ =	shalt  }
0x5e: {  	_ =	shalt  }
0x5f: {  	_ =	shalt  }
0x60: {  	_ =	shalt  }
0x61: {  	_ =	shalt  }
0x62: {  	_ =	shalt  }
0x63: {  	_ =	shalt  }
0x64: {  	_ =	shalt  }
0x65: {  	_ =	shalt  }
0x66: {  	_ =	shalt  }
0x67: {  	_ =	shalt  }
0x68: {  	_ =	shalt  }
0x69: {  	_ =	shalt  }
0x6a: {  	_ =	shalt  }
0x6b: {  	_ =	shalt  }
0x6c: {  	_ =	shalt  }
0x6d: {  	_ =	shalt  }
0x6e: {  	_ =	shalt  }
0x6f: {  	_ =	shalt  }
0x70: {  	_ =	shalt  }
0x71: {  	_ =	shalt  }
0x72: {  	_ =	shalt  }
0x73: {  	_ =	shalt  }
0x74: {  	_ =	shalt  }
0x75: {  	_ =	shalt  }
0x76: {  	_ =	shalt  }
0x77: {  	_ =	shalt  }
0x78: {  	_ =	shalt  }
0x79: {  	_ =	shalt  }
0x7a: {  	_ =	shalt  }
0x7b: {  	_ =	shalt  }
0x7c: {  	_ =	shalt  }
0x7d: {  	_ =	shalt  }
0x7e: {  	_ =	shalt  }
0x7f: {  	_ =	shalt  }
0x80: {  	_ =	shalt  }
0x81: {  	_ =	shalt  }
0x82: {  	_ =	shalt  }
0x83: {  	_ =	shalt  }
0x84: {  	_ =	shalt  }
0x85: {  	_ =	shalt  }
0x86: {  	_ =	shalt  }
0x87: {  	_ =	shalt  }
.Lfunc_end0:
.L_simem_size_0:
called_computation_lowered:
.L_overlay_start_0:
0x88: {  	s0 =	sld [smem:$0x3FD9]  }
0x89: {  	s1 =	sld [smem:$0x3FFE];
	_ =	sdelay $0x3  }
0x8a: {  	s0 =	sadd.s32 s1, s0  }
0x8b: {  	[smem:$0x3FC3] =	sst s0  }
0x8c: {  	_ = 	snop  }
0x8d: {  	s0 =	sld [smem:$0x3FD0];
	(tm) =	ssettm $0x1  }
0x8e: {  	s16 =	sld [smem:$0x3FFB];
	_ =	sdelay $0x3  }
0x8f: {  	_ =	strace s16  }
0x90: {  	s1 =	sld [smem:$0x3FFC];
	_ =	sdelay $0x3  }
0x91: {  	_ =	strace s1  }
0x92: {  	s1 =	sld [smem:$0x3FFD];
	_ =	sdelay $0x3  }
0x93: {  	_ =	strace s1  }
0x94: {  	_ =	strace $0x8FFFFFFF  }
0x95: {  	s17 =	sld [smem:$0x3FDB];
	_ =	sdelay $0x1  }
0x96: {  	s2 =	simm.s32 $_scs_section_size  }
0x97: {  	s3 =	simm.s32 $_size__tile_overlayer_lowered;
	s4 =	simm.s32 $_tile_overlayer_lowered  }
0x98: {  	s20 =	simm.s32 $0x1BFF;
	s19 =	sshll.u32 s4, $0x1;
	s1 =	sadd.s32 s2, s17  }
0x99: {  	s5 =	simm.s32 $0x0;
	s18 =	sshll.u32 s3, $0x1;
	s3 =	sadd.s32 s19, s1  }
0x9a: {  	[timem:s5], [sflag:s20] =	dma.local [hbm:s3], s18  }
0x9b: {  	_ =	swait.ge [sflag:s20], s18  }
0x9c: {  	s2 =	ssub.s32 $0x0, s18;
	[sflag:s20] =	ssyncset.done $0x0  }
0x9d: {  	[sflag:s20] =	ssyncadd.s32 s2;
	_ =	sdelay $0x1  }
0x9e: {  	s21 =	simm.s32 $0x1B8B  }
0x9f: {  	_ =	swait.ge [sflag:s21], $0x1  }
0xa0: {  	[sflag:s21] =	ssyncset.done $0x0  }
0xa1: {  	s23 =	simm.s32 $0x1B8E;
	s22 =	sld [smem:$0x3FFE];
	[sflag:s21] =	ssyncadd.s32 $0xFFFFFFFF  }
0xa2: {  	s24 =	simm.s32 $execute0_lowered;
	[smem:$0x3FD2] =	sst s23  }
0xa3: {  	s3 =	sshll.u32 s24, $0x1;
	_ =	strace $0x80000046;
	[dreg:$0x1] =	wrdreg $0xFFFFFFFF  }
0xa4: {  	s25 =	simm.s32 $_size_execute0_lowered;
	s1 =	sadd.s32 s1, s3;
	[dreg:$0x0] =	wrdreg $0x0  }
0xa5: {  	s3 =	sshll.u32 s25, $0x1;
	[dreg:$0x2] =	wrdreg s1  }
0xa6: {  	[dreg:$0x3] =	wrdreg s3  }
0xa7: {  	[dreg:$0x4] =	wrdreg $0xC0  }
0xa8: {  	_ =	task [dreg:s5], $0x5FFFF  }
0xa9: {  	[dreg:$0x1] =	wrdreg $0xFFFFFFFF  }
0xaa: {  	[dreg:$0x0] =	wrdreg $0x60  }
0xab: {  	[dreg:$0x2] =	wrdreg s0  }
0xac: {  	[dreg:$0x3] =	wrdreg s22  }
0xad: {  	[dreg:$0x4] =	wrdreg $0x9  }
0xae: {  	_ =	task.clear_ibuf [dreg:s5], $0x5FFFF;
	_ =	strace $0x90000046  }
0xaf: {  	s26 =	simm.s32 $0x9;
	_ =	strace $0x80000048  }
0xb0: {  	_ =	swait.ge [sflag:s26], $0x1  }
0xb1: {  	[sflag:s26] =	ssyncadd.s32 $0xFFFFFFFF  }
0xb2: {  	_ =	strace $0x90000048  }
0xb3: {  	_ =	sfence  }
0xb4: {  	s28 =	sld [smem:$0x0];
	_ =	sdelay $0x1  }
0xb5: {  	s29 =	srdreg.scid  }
0xb6: {  	s30 =	sshll.u32 s29, $0xD;
	s31 =	sshrl.u32 s29, $0x2  }
0xb7: {  	s2 =	sand.u32 $0x4000, s30;
	s1 =	sand.u32 $0x1, s29;
	s0 =	sadd.s32 s31, s28  }
0xb8: {  	s1 =	sor.u32 s2, s1;
	s0 =	sshll.u32 s0, $0x11  }
0xb9: {  	s0 =	sor.u32 s0, s1  }
0xba: {  	s0 =	sadd.s32 $0x8F2B, s0  }
0xbb: {  	[sflag:s0] =	ssyncadd.remote.s32 $0x1  }
0xbc: {  	_ =	sfence.sel $0xFFFF  }
0xbd: {  	[dreg:$0x0] =	wrdreg $0xFFFFFFFF;
	(pc) =	sbr.abs _section_cstart, $3  }
0xbe: {  	[dreg:$0x1] =	wrdreg $0xFFFFFFFF  }
0xbf: {  	_ =	task.clear_ibuf [dreg:s5], $0x2FFFF;
	_ =	strace $0x9FFFFFFF  }
0xc0: {  	(tm) =	ssettm $0x7FFFFFFF  }
0xc1: {  	_ =	shalt  }
tec
execute0_lowered:
.L_overlay_start_1:
0x0: {  	(tag) =	ssettag $0x1  }
0x1: {  	s3 =	stileid.u32  }
0x2: {  	p0 =	sne.s32 s3, $0x0  }
.Ltmp0:
0x3: {  	_ = 	snop;
	(pc) =	sbr.rel @p0 .LBB2_2-.Ltmp0, $4  }
0x4: {  	_ = 	snop  }
0x5: {  	s2 =	rddreg [dreg:$0x0]  }
0x6: {  	s1 =	rddreg [dreg:$0x1]  }
0x7: {  	s0 =	rddreg [dreg:$0x2];
	_ =	strace $0x80000047  }
0x8: {  	s3 =	simm.s32 $0x0;
	s26 =	simm.s32 $0x1  }
0x9: {  	[tilespmem:s3], [sflag:$0x1] =	stream.linear.gather [hbm4b:s2+s3], $0x80, $0x38;
	[tilespmem:$0x280] =	vst v63  }
0xa: {  	_ =	swait.ge [sflag:s26], $0x80  }
0xb: {  	[sflag:s26] =	ssyncset.done $0x0  }
0xc: {  	s4 =	sadd.s32 $0x1000, s1;
	s5 =	simm.s32 $0x80;
	[sflag:s26] =	ssyncadd.s32 $0xFFFFFF80  }
0xd: {  	[tilespmem:s5], [sflag:$0x1] =	stream.linear.gather [hbm4b:s4+s3], $0x80, $0x38;
	[tilespmem:$0x280] =	vst v63  }
0xe: {  	_ =	swait.ge [sflag:s26], $0x80  }
0xf: {  	[sflag:s26] =	ssyncset.done $0x0  }
0x10: {  	[sflag:s26] =	ssyncadd.s32 $0xFFFFFF80  }
0x11: {  	v0 =	vld [tilespmem:$0x0];
	_ =	sdelay $0x4  }
0x12: {  	v2 =	vlaneseq.u32;
	v1 =	vld [tilespmem:$0x10];
	v3 =	vshll.u32 v0, $0x5  }
0x13: {  	v4 =	vor.u32 v2, v3  }
0x14: {  	v6 =	vbroadcast v4, $0x0  }
0x15: {  	v34 =	vbroadcast v4, $0x1;
	v37 =	vbroadcast v4, $0x2  }
0x16: {  	v42 =	vbroadcast v4, $0x3;
	v48 =	vbroadcast v4, $0x4  }
0x17: {  	v5 =	vshll.u32 v1, $0x5;
	v54 =	vbroadcast v4, $0x5;
	v59 =	vbroadcast v4, $0x6  }
0x18: {  	v3 =	vor.u32 $0x10, v2;
	v17 =	vbroadcast v4, $0x8;
	v22 =	vbroadcast v4, $0x9  }
0x19: {  	v5 =	vor.u32 v3, v5;
	v27 =	vbroadcast v4, $0xA;
	v32 =	vbroadcast v4, $0xB  }
0x1a: {  	v33 =	vbroadcast v5, $0x0;
	v35 =	vbroadcast v5, $0x1  }
0x1b: {  	v40 =	vbroadcast v5, $0x2;
	v45 =	vbroadcast v5, $0x3  }
0x1c: {  	v52 =	vbroadcast v5, $0x4;
	v56 =	vbroadcast v5, $0x5  }
0x1d: {  	vm2 =	vmmov $0x1;
	v63 =	vbroadcast v5, $0x6;
	v14 =	vbroadcast v5, $0x7  }
0x1e: {  	vm8 =	vmmov $0x3;
	v21 =	vbroadcast v5, $0x8;
	v24 =	vbroadcast v5, $0x9  }
0x1f: {  	v31 =	vbroadcast v5, $0xA;
	vm0 =	vlt.s32 v4, v6;
	vm1 =	vlt.s32 v5, v6  }
0x20: {  	vm14 =	vlt.s32 v4, v34;
	vm15 =	vlt.s32 v5, v34;
	vm6 =	vlt.s32 v4, v37  }
0x21: {  	vm7 =	vlt.s32 v5, v37;
	v34 =	vbroadcast v5, $0xB;
	v37 =	vbroadcast v4, $0xC  }
0x22: {  	vm11 =	vlt.s32 v4, v42;
	v7 =	vmpcnt.ones.xlane vm0;
	v8 =	vmpcnt.ones.xlane vm1  }
0x23: {  	vm12 =	vlt.s32 v4, v33;
	vm13 =	vlt.s32 v5, v33;
	v36 =	vmpcnt.ones.xlane vm14  }
0x24: {  	v11 =	vmpcnt.ones.xlane vm15;
	vm4 =	vlt.s32 v4, v35;
	vm5 =	vlt.s32 v5, v35  }
0x25: {  	v39 =	vmpcnt.ones.xlane vm6;
	v12 =	vmpcnt.ones.xlane vm7;
	vm9 =	vlt.s32 v4, v40  }
0x26: {  	vm10 =	vlt.s32 v5, v40;
	v46 =	vmpcnt.ones.xlane vm11;
	vm14 =	vlt.s32 v5, v45  }
0x27: {  	vm15 =	vlt.s32 v4, v48;
	vm6 =	vmmov $0xf;
	v9 =	vmpcnt.ones.xlane vm12  }
0x28: {  	vm7 =	vlt.s32 v4, v52;
	v10 =	vmpcnt.ones.xlane vm13;
	v38 =	vmpcnt.ones.xlane vm4  }
0x29: {  	vm11 =	vlt.s32 v4, v56;
	v6 =	vmpcnt.ones.xlane vm5;
	v43 =	vmpcnt.ones.xlane vm9  }
0x2a: {  	v44 =	vmpcnt.ones.xlane vm10;
	vm12 =	vlt.s32 v5, v42;
	vm13 =	vlt.s32 v4, v45  }
0x2b: {  	vm4 =	vlt.s32 v5, v48;
	vm5 =	vmmov $0x7;
	v50 =	vmpcnt.ones.xlane vm15  }
0x2c: {  	v55 =	vmpcnt.ones.xlane vm7;
	vm9 =	vlt.s32 v4, v54;
	vm10 =	vlt.s32 v5, v54  }
0x2d: {  	v60 =	vmpcnt.ones.xlane vm11;
	vm15 =	vmmov $0x1f;
	vm11 =	vlt.s32 v4, v17  }
0x2e: {  	v42 =	vbroadcast v4, $0xD;
	v7 =	vadd.s32 v7, v8;
	v47 =	vmpcnt.ones.xlane vm12  }
0x2f: {  	v8 =	vadd.s32 v36, v11;
	v49 =	vmpcnt.ones.xlane vm13;
	v51 =	vmpcnt.ones.xlane vm4  }
0x30: {  	v41 =	vadd.s32 v39, v12;
	v57 =	vmpcnt.ones.xlane vm9;
	v58 =	vmpcnt.ones.xlane vm10  }
0x31: {  	vm12 =	vlt.s32 v5, v56;
	vm13 =	vlt.s32 v4, v59;
	vm4 =	vmmov $0x3f  }
0x32: {  	v12 =	vbroadcast v4, $0x7;
	vm9 =	vlt.s32 v4, v14;
	vm10 =	vlt.s32 v5, v14  }
0x33: {  	v19 =	vmpcnt.ones.xlane vm11;
	vm11 =	vmmov $0x1ff;
	v9 =	vadd.s32 v9, v10  }
0x34: {  	v7 =	vsel vm2, v7, v8;
	v6 =	vadd.s32 v38, v6;
	v8 =	vmpcnt.ones.xlane vm14  }
0x35: {  	vm14 =	vlt.s32 v5, v59;
	v61 =	vmpcnt.ones.xlane vm13;
	v18 =	vmpcnt.ones.xlane vm9  }
0x36: {  	vm13 =	vmmov $0x7f;
	vm9 =	vlt.s32 v4, v27;
	v6 =	vsel vm2, v9, v6  }
0x37: {  	v7 =	vsel vm8, v7, v41;
	v9 =	vadd.s32 v43, v44;
	v10 =	vadd.s32 v46, v47  }
0x38: {  	v53 =	vadd.s32 v50, v51;
	v62 =	vmpcnt.ones.xlane vm14;
	vm7 =	vlt.s32 v4, v12  }
0x39: {  	vm14 =	vmmov $0xff;
	v29 =	vmpcnt.ones.xlane vm9;
	v41 =	vbroadcast v5, $0xC  }
0x3a: {  	vm9 =	vmmov $0x7ff;
	v44 =	vbroadcast v5, $0xD;
	v47 =	vbroadcast v4, $0xE  }
0x3b: {  	v51 =	vbroadcast v5, $0xE;
	v6 =	vsel vm8, v6, v9;
	v7 =	vsel vm5, v7, v10  }
0x3c: {  	v8 =	vadd.s32 v49, v8;
	vm8 =	vlt.s32 v5, v52;
	v9 =	vmpcnt.ones.xlane vm12  }
0x3d: {  	v15 =	vmpcnt.ones.xlane vm7;
	vm12 =	vlt.s32 v5, v17;
	vm7 =	vlt.s32 v4, v24  }
0x3e: {  	v52 =	vbroadcast v4, $0xF;
	v6 =	vsel vm5, v6, v8;
	v7 =	vsel vm6, v7, v53  }
0x3f: {  	v10 =	vmpcnt.ones.xlane vm8;
	vm5 =	vlt.s32 v4, v63;
	vm8 =	vlt.s32 v5, v12  }
0x40: {  	v20 =	vmpcnt.ones.xlane vm12;
	v28 =	vmpcnt.ones.xlane vm7;
	vm12 =	vmmov $0x3ff  }
0x41: {  	vm7 =	vlt.s32 v4, v37;
	v53 =	vbroadcast v5, $0xF;
	v9 =	vadd.s32 v60, v9  }
0x42: {  	v13 =	vmpcnt.ones.xlane vm5;
	v16 =	vmpcnt.ones.xlane vm8;
	vm5 =	vlt.s32 v4, v22  }
0x43: {  	vm8 =	vlt.s32 v5, v24;
	v39 =	vmpcnt.ones.xlane vm7;
	vm7 =	vmmov $0x1fff  }
0x44: {  	v8 =	vadd.s32 v55, v10;
	v10 =	vadd.s32 v57, v58;
	v25 =	vmpcnt.ones.xlane vm5  }
0x45: {  	vm5 =	vlt.s32 v4, v34;
	v6 =	vsel vm6, v6, v8;
	v7 =	vsel vm15, v7, v10  }
0x46: {  	v8 =	vadd.s32 v61, v62;
	vm6 =	vlt.s32 v5, v63;
	v38 =	vmpcnt.ones.xlane vm5  }
0x47: {  	vm5 =	vlt.s32 v4, v47;
	v6 =	vsel vm15, v6, v9;
	v10 =	vmpcnt.ones.xlane vm6  }
0x48: {  	v9 =	vmpcnt.ones.xlane vm10;
	vm15 =	vlt.s32 v4, v21;
	vm6 =	vlt.s32 v5, v22  }
0x49: {  	vm10 =	vlt.s32 v5, v27;
	v49 =	vmpcnt.ones.xlane vm5;
	v23 =	vmpcnt.ones.xlane vm15  }
0x4a: {  	v7 =	vsel vm4, v7, v8;
	v26 =	vmpcnt.ones.xlane vm6;
	v30 =	vmpcnt.ones.xlane vm10  }
0x4b: {  	vm15 =	vlt.s32 v4, v32;
	vm6 =	vlt.s32 v5, v34;
	vm10 =	vmmov $0xfff  }
0x4c: {  	v8 =	vadd.s32 v13, v10;
	v10 =	vadd.s32 v15, v16;
	v9 =	vadd.s32 v18, v9  }
0x4d: {  	v35 =	vmpcnt.ones.xlane vm15;
	vm15 =	vlt.s32 v4, v44;
	v6 =	vsel vm4, v6, v8  }
0x4e: {  	v7 =	vsel vm13, v7, v10;
	v8 =	vadd.s32 v19, v20;
	vm4 =	vlt.s32 v5, v21  }
0x4f: {  	v48 =	vmpcnt.ones.xlane vm15;
	vm15 =	vmmov $0x7fff;
	v6 =	vsel vm13, v6, v9  }
0x50: {  	v10 =	vmpcnt.ones.xlane vm4;
	v9 =	vmpcnt.ones.xlane vm8;
	vm13 =	vlt.s32 v4, v31  }
0x51: {  	vm4 =	vlt.s32 v5, v32;
	vm8 =	vlt.s32 v5, v37;
	v33 =	vmpcnt.ones.xlane vm13  }
0x52: {  	v7 =	vsel vm14, v7, v8;
	v36 =	vmpcnt.ones.xlane vm4;
	v40 =	vmpcnt.ones.xlane vm8  }
0x53: {  	vm13 =	vlt.s32 v4, v42;
	vm4 =	vlt.s32 v5, v44;
	vm8 =	vlt.s32 v4, v51  }
0x54: {  	v8 =	vadd.s32 v23, v10;
	v10 =	vadd.s32 v25, v26;
	v9 =	vadd.s32 v28, v9  }
0x55: {  	v45 =	vmpcnt.ones.xlane vm13;
	v54 =	vmpcnt.ones.xlane vm8;
	vm13 =	vlt.s32 v5, v53  }
0x56: {  	v6 =	vsel vm14, v6, v8;
	v7 =	vsel vm11, v7, v10;
	v8 =	vadd.s32 v29, v30  }
0x57: {  	vm14 =	vlt.s32 v5, v31;
	v59 =	vmpcnt.ones.xlane vm13;
	v6 =	vsel vm11, v6, v9  }
0x58: {  	v10 =	vmpcnt.ones.xlane vm14;
	v9 =	vmpcnt.ones.xlane vm6;
	vm11 =	vlt.s32 v4, v41  }
0x59: {  	vm14 =	vlt.s32 v5, v42;
	vm6 =	vlt.s32 v5, v47;
	v43 =	vmpcnt.ones.xlane vm11  }
0x5a: {  	v7 =	vsel vm12, v7, v8;
	v46 =	vmpcnt.ones.xlane vm14;
	v50 =	vmpcnt.ones.xlane vm6  }
0x5b: {  	vm11 =	vlt.s32 v5, v52;
	vm14 =	vmmov $0x3fff;
	v8 =	vadd.s32 v33, v10  }
0x5c: {  	v10 =	vadd.s32 v35, v36;
	v9 =	vadd.s32 v38, v9;
	v57 =	vmpcnt.ones.xlane vm11  }
0x5d: {  	v6 =	vsel vm12, v6, v8;
	v7 =	vsel vm9, v7, v10;
	vm12 =	vlt.s32 v5, v41  }
0x5e: {  	v8 =	vadd.s32 v39, v40;
	v6 =	vsel vm9, v6, v9;
	v10 =	vmpcnt.ones.xlane vm12  }
0x5f: {  	v7 =	vsel vm10, v7, v8;
	v9 =	vmpcnt.ones.xlane vm4;
	vm9 =	vlt.s32 v5, v51  }
0x60: {  	vm12 =	vlt.s32 v4, v53;
	v55 =	vmpcnt.ones.xlane vm9;
	v8 =	vadd.s32 v43, v10  }
0x61: {  	v58 =	vmpcnt.ones.xlane vm12;
	v6 =	vsel vm10, v6, v8;
	vm10 =	vlt.s32 v4, v52  }
0x62: {  	v10 =	vadd.s32 v45, v46;
	v9 =	vadd.s32 v48, v9;
	v56 =	vmpcnt.ones.xlane vm10  }
0x63: {  	v7 =	vsel vm7, v7, v10;
	v8 =	vadd.s32 v49, v50;
	v6 =	vsel vm7, v6, v9  }
0x64: {  	v7 =	vsel vm14, v7, v8;
	v9 =	vadd.s32 v54, v55;
	v4 =	vadd.s32 v56, v57  }
0x65: {  	v61 =	vadd.s32 v58, v59;
	v60 =	vsel vm14, v6, v9;
	v4 =	vsel vm15, v7, v4  }
0x66: {  	v5 =	vsel vm15, v60, v61;
	_ =	sdelay $0x2  }
0x67: {  	s28 =	simm.s32 $0x100;
	v62 =	vld [tilespmem:$0x80]  }
0x68: {  	v63 =	vld [tilespmem:$0x90];
	[tilespmem:v4+s28+$0x0] =	vst.idx.msk $0xffff, v0  }
0x69: {  	s29 =	simm.s32 $0x180;
	[tilespmem:v5+s28+$0x0] =	vst.idx.msk $0xffff, v1  }
0x6a: {  	[tilespmem:v4+s29+$0x0] =	vst.idx.msk $0xffff, v2  }
0x6b: {  	s6 =	simm.s32 $0x200;
	[tilespmem:v5+s29+$0x0] =	vst.idx.msk $0xffff, v3  }
0x6c: {  	[tilespmem:v4+s6+$0x0] =	vst.idx.msk $0xffff, v62  }
0x6d: {  	s7 =	sadd.s32 $0x1200, s1;
	[tilespmem:v5+s6+$0x0] =	vst.idx.msk $0xffff, v63  }
0x6e: {  	[hbm4b:s7+s3] =	stream.linear.scatter [tilespmem:s28], [sflag:$0x1], $0x80, $0x38;
	[tilespmem:$0x280] =	vst v63  }
0x6f: {  	_ =	swait.ge [sflag:s26], $0x80  }
0x70: {  	[sflag:s26] =	ssyncset.done $0x0  }
0x71: {  	s30 =	sadd.s32 $0x1400, s1;
	[sflag:s26] =	ssyncadd.s32 $0xFFFFFF80  }
0x72: {  	[hbm4b:s30+s3] =	stream.linear.scatter [tilespmem:s29], [sflag:$0x1], $0x80, $0x38;
	[tilespmem:$0x280] =	vst v63  }
0x73: {  	_ =	swait.ge [sflag:s26], $0x80  }
0x74: {  	[sflag:s26] =	ssyncset.done $0x0  }
0x75: {  	s31 =	sadd.s32 $0x1600, s1;
	[sflag:s26] =	ssyncadd.s32 $0xFFFFFF80  }
0x76: {  	[hbm4b:s31+s3] =	stream.linear.scatter [tilespmem:s6], [sflag:$0x1], $0x80, $0x38;
	[tilespmem:$0x280] =	vst v63  }
0x77: {  	_ =	swait.ge [sflag:s26], $0x80  }
0x78: {  	[sflag:s26] =	ssyncset.done $0x0  }
0x79: {  	[sflag:s26] =	ssyncadd.s32 $0xFFFFFF80  }
.LBB2_2:
0x7a: {  	_ =	sfence.sel $0x180000  }
0x7b: {  	[bflag:$0x0] =	sbarrier.arrive $0xFFFF  }
0x7c: {  	_ =	strace $0x90000047  }
0x7d: {  	s0 =	sadd.s32 @!p0 $0x100000, s0;
	[bflag:$0x2] =	sbarrier.arrive $0xFFFF  }
0x7e: {  	[sflag:s0] =	ssyncadd.tile.s32 @!p0 $0x1;
	_ =	shalt  }
.Lfunc_end2:
_tile_overlayer_lowered:
.L_overlay_start_2:
0x7f: {  	(tag) =	ssettag $0x2  }
0x80: {  	s0 =	rddreg [dreg:$0x0];
	s2 =	stileid.u32  }
0x81: {  	s1 =	rddreg [dreg:$0x1];
	p0 =	sne.s32 s2, $0x0  }
0x82: {  	s3 =	rddreg [dreg:$0x2];
	[bflag:$0x3] =	sbarrier.arrive $0xFFFF;
	s2 =	simm.s32 @!p0 $0x1C01  }
0x83: {  	[timem:s3], [sflag:s2] =	dma.local @!p0 [hbm:s0], s1  }
0x84: {  	s0 =	simm.s32 @!p0 $0x1  }
0x85: {  	_ =	swait.ge @!p0 [sflag:s0], s1  }
0x86: {  	s1 =	ssub.s32 @!p0 $0x0, s1;
	[sflag:s0] =	ssyncset.done @!p0 $0x0  }
0x87: {  	[sflag:s0] =	ssyncadd.s32 @!p0 s1  }
0x88: {  	[bflag:$0x3] =	sbarrier.arrive $0xFFFF  }
0x89: {  	_ =	shalt  }

</sc_bundles>
